<compile_context>
chip_gen: v7x
topology: tpu7x:2x2x1
jax: 0.10.2.dev20260603
libtpu: 0.0.44.dev20260713+nightly
codegen_flags: <defaults>
</compile_context>

<pallas_src>
import functools

import jax
import jax.numpy as jnp
from jax import lax
from jax.experimental import pallas as pl
from jax.experimental.pallas import tpu as pltpu
from jax.experimental.pallas import tpu_sc as plsc

D_EMBED = 32
NCHUNK = 512
NBLK_W = NCHUNK // 128


@functools.lru_cache(maxsize=None)
def _make_gather(n: int, s: int):
    info = plsc.get_sparse_core_info()
    nc, ns = info.num_cores, info.num_subcores
    nw = nc * ns
    assert n % (128 * nw) == 0 and n // nw == NCHUNK

    mesh = plsc.VectorSubcoreMesh(core_axis_name="c", subcore_axis_name="s")

    @functools.partial(
        pl.kernel,
        mesh=mesh,
        out_type=jax.ShapeDtypeStruct((s * (n // 128), 128, D_EMBED),
                                      jnp.float32),
        scratch_types=(
            [pltpu.VMEM((NBLK_W, 128), jnp.int32) for _ in range(2)]
            + [pltpu.VMEM((NBLK_W, 128, D_EMBED), jnp.float32) for _ in range(2)]
            + [pltpu.SemaphoreType.DMA for _ in range(6)]
        ),
        compiler_params=pltpu.CompilerParams(
            use_tc_tiling_on_sc=False, needs_layout_passes=False),
    )
    def gather_kernel(idx_hbm, table_hbm, out_hbm, *scr):
        idx_v = scr[0:2]
        rows_v = scr[2:4]
        sem_idx = scr[4:6]
        sem_g = scr[6:8]
        sem_st = scr[8:10]

        wid = lax.axis_index("s") * nc + lax.axis_index("c")

        def idx_slice(col):
            return idx_hbm.at[pl.ds(col * (n // 128) + wid * NBLK_W, NBLK_W), :]

        def wait_idx(b):
            pltpu.make_async_copy(idx_slice(0), idx_v[b], sem_idx[b]).wait()

        def wait_gathers(b):
            for q in range(NBLK_W):
                pltpu.make_async_copy(
                    table_hbm.at[pl.ds(0, 128)], rows_v[b].at[q], sem_g[b]
                ).wait()

        def wait_stores(b):
            for q in range(NBLK_W):
                pltpu.make_async_copy(
                    rows_v[b].at[q], out_hbm.at[0], sem_st[b]
                ).wait()

        def start_gathers(b):
            for q in range(NBLK_W):
                pltpu.async_copy(
                    table_hbm.at[idx_v[b].at[q]], rows_v[b].at[q], sem_g[b])

        def start_stores(col, b):
            for q in range(NBLK_W):
                pltpu.async_copy(
                    rows_v[b].at[q],
                    out_hbm.at[col * (n // 128) + wid * NBLK_W + q],
                    sem_st[b],
                )

        for b in range(2):
            pltpu.async_copy(idx_slice(b), idx_v[b], sem_idx[b])

        def group(grp, carry):
            for b in range(2):
                i = grp * 2 + b
                p = 1 - b
                wait_idx(b)

                @pl.when(grp > 0)
                def _():
                    wait_stores(b)

                start_gathers(b)

                @pl.when(i > 0)
                def _():
                    wait_gathers(p)

                    @pl.when(i + 1 < s)
                    def _():
                        pltpu.async_copy(idx_slice(i + 1), idx_v[p], sem_idx[p])

                    start_stores(i - 1, p)
            return carry

        lax.fori_loop(0, s // 2, group, 0)

        wait_gathers(1)
        start_stores(s - 1, 1)
        for b in range(2):
            wait_stores(b)

    return gather_kernel


def _tc_transform(x_ref, o_ref):
    eye = jnp.eye(128, dtype=jnp.float32)

    def body(nb, carry):
        xs = x_ref[0, nb]
        xt = lax.dot_general(
            xs, eye, (((0,), (0,)), ((), ())),
            preferred_element_type=jnp.float32)
        o_ref[:, nb] = xt.reshape(4, 8, 128)
        return carry

    lax.fori_loop(0, 128, body, 0)


@functools.lru_cache(maxsize=None)
def _make_transform(n: int, s: int):
    return pl.pallas_call(
        _tc_transform,
        grid=(s,),
        in_specs=[
            pl.BlockSpec((1, n // 128, 128, D_EMBED),
                         lambda i: (i, 0, 0, 0)),
        ],
        out_specs=pl.BlockSpec((4, n // 128, 8, 128),
                               lambda i: (i, 0, 0, 0)),
        out_shape=jax.ShapeDtypeStruct((s * 4, n // 128, 8, 128),
                                       jnp.float32),
    )


def kernel(sensor_id, table):
    n, s = sensor_id.shape
    idx2 = sensor_id.T.reshape(s * (n // 128), 128)
    inter = _make_gather(n, s)(idx2, table)
    o4 = _make_transform(n, s)(inter.reshape(s, n // 128, 128, D_EMBED))
    o5 = o4.reshape(s, 4, n // 128, 8, 128)
    return o5.transpose(2, 4, 0, 1, 3).reshape(n, s, D_EMBED)

# --- scband reference (transcript-rebuilt; emitter-appended) ---
"""Pipeline reference for scband-sensor-embedding-86191403696851 (READ-ONLY COPY).

The authoritative reference and input builder live on the scoring server;
editing this copy changes nothing except your own understanding.
"""

import jax, jax.numpy as jnp
import numpy as np

N_SENSORS = 1000000
D_EMBED = 32

def setup_inputs(seed: int = 0) -> dict:
    key = jax.random.key(seed)
    k_idx, k_tab = jax.random.split(key)
    sensor_id = jax.random.randint(k_idx, (16384, 200), 0, N_SENSORS, dtype=jnp.int64 if jax.config.jax_enable_x64 else jnp.int32)
    table = jax.random.normal(k_tab, (N_SENSORS, D_EMBED), dtype=jnp.float32)
    return {"sensor_id": sensor_id, "table": table}

def reference(sensor_id, table):
    # nn.Embedding forward: gather rows of the table by index
    return jnp.take(table, sensor_id, axis=0)

if __name__ == "__main__":
    import jax
    _d = setup_inputs()
    print(jax.jit(kernel)(*tuple(_d.values())))

</pallas_src>

<mosaic_0001>
#map = affine_map<(d0, d1) -> (0, 0)>
#map1 = affine_map<(d0, d1) -> (0, 0, 0)>
module attributes {stable_mosaic.version = 14 : i64} {
  func.func @gather_kernel(%arg0: i32, %arg1: i32, %arg2: memref<25600x128xi32, #tpu.memory_space<hbm>>, %arg3: memref<1000000x32xf32, #tpu.memory_space<hbm>>, %arg4: memref<25600x128x32xf32, #tpu.memory_space<hbm>>, %arg5: memref<4x128xi32, #tpu.memory_space<vmem>>, %arg6: memref<4x128xi32, #tpu.memory_space<vmem>>, %arg7: memref<4x128x32xf32, #tpu.memory_space<vmem>>, %arg8: memref<4x128x32xf32, #tpu.memory_space<vmem>>, %arg9: memref<!tpu.dma_semaphore, #tpu.memory_space<semaphore_mem>>, %arg10: memref<!tpu.dma_semaphore, #tpu.memory_space<semaphore_mem>>, %arg11: memref<!tpu.dma_semaphore, #tpu.memory_space<semaphore_mem>>, %arg12: memref<!tpu.dma_semaphore, #tpu.memory_space<semaphore_mem>>, %arg13: memref<!tpu.dma_semaphore, #tpu.memory_space<semaphore_mem>>, %arg14: memref<!tpu.dma_semaphore, #tpu.memory_space<semaphore_mem>>) attributes {dimension_semantics = [#tpu.dimension_semantics<core_parallel>, #tpu.dimension_semantics<subcore_parallel>], iteration_bounds = array<i64: 2, 16>, scalar_prefetch = 0 : i64, scratch_operands = 10 : i64, tpu.core_type = #tpu.core_type<sc_vector_subcore>, window_params = [{transform_indices = #map}, {transform_indices = #map}, {transform_indices = #map1}]} {
    %mul3A = arith.constant 2 : i32
    %mul3A_0 = arith.muli %arg1, %mul3A : i32
    %add3A = arith.addi %mul3A_0, %arg0 : i32
    %mul3A_1 = arith.constant 4 : i32
    %mul3A_2 = arith.muli %add3A, %mul3A_1 : i32
    %add3A_3 = arith.constant 0 : i32
    %add3A_4 = arith.addi %add3A_3, %mul3A_2 : i32
    %dma_start3A = arith.constant 0 : i32
    %dma_start3A_5 = tpu.memref_slice %arg2[%add3A_4, %dma_start3A] : memref<25600x128xi32, #tpu.memory_space<hbm>> -> memref<4x128xi32, #tpu.memory_space<hbm>>
    %dma_start3A_6 = arith.constant 0 : i32
    %dma_start3A_7 = tpu.memref_slice %arg2[%add3A_4, %dma_start3A_6] : memref<25600x128xi32, #tpu.memory_space<hbm>> -> memref<4x128xi32, #tpu.memory_space<hbm>>
    tpu.enqueue_dma source(%dma_start3A_7 : memref<4x128xi32, #tpu.memory_space<hbm>>) target(%arg5 : memref<4x128xi32, #tpu.memory_space<vmem>>) target_semaphore(%arg9 : memref<!tpu.dma_semaphore, #tpu.memory_space<semaphore_mem>>)
    %mul3A_8 = arith.constant 4 : i32
    %mul3A_9 = arith.muli %add3A, %mul3A_8 : i32
    %add3A_10 = arith.constant 128 : i32
    %add3A_11 = arith.addi %add3A_10, %mul3A_9 : i32
    %dma_start3A_12 = arith.constant 0 : i32
    %dma_start3A_13 = tpu.memref_slice %arg2[%add3A_11, %dma_start3A_12] : memref<25600x128xi32, #tpu.memory_space<hbm>> -> memref<4x128xi32, #tpu.memory_space<hbm>>
    %dma_start3A_14 = arith.constant 0 : i32
    %dma_start3A_15 = tpu.memref_slice %arg2[%add3A_11, %dma_start3A_14] : memref<25600x128xi32, #tpu.memory_space<hbm>> -> memref<4x128xi32, #tpu.memory_space<hbm>>
    tpu.enqueue_dma source(%dma_start3A_15 : memref<4x128xi32, #tpu.memory_space<hbm>>) target(%arg6 : memref<4x128xi32, #tpu.memory_space<vmem>>) target_semaphore(%arg10 : memref<!tpu.dma_semaphore, #tpu.memory_space<semaphore_mem>>)
    %scan3A = arith.constant 0 : i32
    %scan3A_16 = arith.constant 0 : i32
    %scan3A_17 = arith.constant 100 : i32
    %scan3A_18 = arith.addi %scan3A_16, %scan3A_17 : i32
    %scan3A_19 = arith.constant 1 : i32
    scf.for %scan3A_316 = %scan3A_16 to %scan3A_18 step %scan3A_19  : i32 {
      %mul3A_317 = arith.constant 2 : i32
      %mul3A_318 = arith.muli %scan3A_316, %mul3A_317 : i32
      %add3A_319 = arith.constant 0 : i32
      %add3A_320 = arith.addi %mul3A_318, %add3A_319 : i32
      %mul3A_321 = arith.constant 4 : i32
      %mul3A_322 = arith.muli %add3A, %mul3A_321 : i32
      %add3A_323 = arith.constant 0 : i32
      %add3A_324 = arith.addi %add3A_323, %mul3A_322 : i32
      %dma_wait3A_325 = arith.constant 0 : i32
      %dma_wait3A_326 = tpu.memref_slice %arg2[%add3A_324, %dma_wait3A_325] : memref<25600x128xi32, #tpu.memory_space<hbm>> -> memref<4x128xi32, #tpu.memory_space<hbm>>
      %dma_wait3A_327 = arith.constant 0 : i32
      %dma_wait3A_328 = tpu.memref_slice %arg2[%add3A_324, %dma_wait3A_327] : memref<25600x128xi32, #tpu.memory_space<hbm>> -> memref<4x128xi32, #tpu.memory_space<hbm>>
      tpu.wait_dma2 semaphore(%arg9 : memref<!tpu.dma_semaphore, #tpu.memory_space<semaphore_mem>>) src(%dma_wait3A_328 : memref<4x128xi32, #tpu.memory_space<hbm>>) dst(%arg5 : memref<4x128xi32, #tpu.memory_space<vmem>>)
      %gt3A = arith.constant 0 : i32
      %gt3A_329 = arith.cmpi sgt, %scan3A_316, %gt3A : i32
      %convert_element_type3A = arith.extui %gt3A_329 : i1 to i32
      %cond3A = arith.constant 0 : i32
      %cond3A_330 = arith.cmpi ne, %convert_element_type3A, %cond3A : i32
      scf.if %cond3A_330 {
        %dma_wait3A_454 = arith.constant 0 : i32
        %dma_wait3A_455 = arith.constant 0 : i32
        %dma_wait3A_456 = arith.constant 0 : i32
        %dma_wait3A_457 = arith.constant 0 : i32
        %dma_wait3A_458 = tpu.memref_slice %arg7[%dma_wait3A_454, %dma_wait3A_456, %dma_wait3A_457] : memref<4x128x32xf32, #tpu.memory_space<vmem>> -> memref<1x128x32xf32, #tpu.memory_space<vmem>>
        %dma_wait3A_459 = tpu.memref_squeeze %dma_wait3A_458 : memref<1x128x32xf32, #tpu.memory_space<vmem>> -> memref<128x32xf32, #tpu.memory_space<vmem>>
        %dma_wait3A_460 = arith.constant 0 : i32
        %dma_wait3A_461 = arith.constant 0 : i32
        %dma_wait3A_462 = tpu.memref_slice %arg4[%dma_wait3A_455, %dma_wait3A_460, %dma_wait3A_461] : memref<25600x128x32xf32, #tpu.memory_space<hbm>> -> memref<1x128x32xf32, #tpu.memory_space<hbm>>
        %dma_wait3A_463 = tpu.memref_squeeze %dma_wait3A_462 : memref<1x128x32xf32, #tpu.memory_space<hbm>> -> memref<128x32xf32, #tpu.memory_space<hbm>>
        %dma_wait3A_464 = arith.constant 0 : i32
        %dma_wait3A_465 = arith.constant 0 : i32
        %dma_wait3A_466 = tpu.memref_slice %arg4[%dma_wait3A_455, %dma_wait3A_464, %dma_wait3A_465] : memref<25600x128x32xf32, #tpu.memory_space<hbm>> -> memref<1x128x32xf32, #tpu.memory_space<hbm>>
        %dma_wait3A_467 = tpu.memref_squeeze %dma_wait3A_466 : memref<1x128x32xf32, #tpu.memory_space<hbm>> -> memref<128x32xf32, #tpu.memory_space<hbm>>
        %dma_wait3A_468 = arith.constant 0 : i32
        %dma_wait3A_469 = arith.constant 0 : i32
        %dma_wait3A_470 = tpu.memref_slice %arg7[%dma_wait3A_454, %dma_wait3A_468, %dma_wait3A_469] : memref<4x128x32xf32, #tpu.memory_space<vmem>> -> memref<1x128x32xf32, #tpu.memory_space<vmem>>
        %dma_wait3A_471 = tpu.memref_squeeze %dma_wait3A_470 : memref<1x128x32xf32, #tpu.memory_space<vmem>> -> memref<128x32xf32, #tpu.memory_space<vmem>>
        tpu.wait_dma2 semaphore(%arg13 : memref<!tpu.dma_semaphore, #tpu.memory_space<semaphore_mem>>) src(%dma_wait3A_471 : memref<128x32xf32, #tpu.memory_space<vmem>>) dst(%dma_wait3A_467 : memref<128x32xf32, #tpu.memory_space<hbm>>)
        %dma_wait3A_472 = arith.constant 1 : i32
        %dma_wait3A_473 = arith.constant 0 : i32
        %dma_wait3A_474 = arith.constant 0 : i32
        %dma_wait3A_475 = arith.constant 0 : i32
        %dma_wait3A_476 = tpu.memref_slice %arg7[%dma_wait3A_472, %dma_wait3A_474, %dma_wait3A_475] : memref<4x128x32xf32, #tpu.memory_space<vmem>> -> memref<1x128x32xf32, #tpu.memory_space<vmem>>
        %dma_wait3A_477 = tpu.memref_squeeze %dma_wait3A_476 : memref<1x128x32xf32, #tpu.memory_space<vmem>> -> memref<128x32xf32, #tpu.memory_space<vmem>>
        %dma_wait3A_478 = arith.constant 0 : i32
        %dma_wait3A_479 = arith.constant 0 : i32
        %dma_wait3A_480 = tpu.memref_slice %arg4[%dma_wait3A_473, %dma_wait3A_478, %dma_wait3A_479] : memref<25600x128x32xf32, #tpu.memory_space<hbm>> -> memref<1x128x32xf32, #tpu.memory_space<hbm>>
        %dma_wait3A_481 = tpu.memref_squeeze %dma_wait3A_480 : memref<1x128x32xf32, #tpu.memory_space<hbm>> -> memref<128x32xf32, #tpu.memory_space<hbm>>
        %dma_wait3A_482 = arith.constant 0 : i32
        %dma_wait3A_483 = arith.constant 0 : i32
        %dma_wait3A_484 = tpu.memref_slice %arg4[%dma_wait3A_473, %dma_wait3A_482, %dma_wait3A_483] : memref<25600x128x32xf32, #tpu.memory_space<hbm>> -> memref<1x128x32xf32, #tpu.memory_space<hbm>>
        %dma_wait3A_485 = tpu.memref_squeeze %dma_wait3A_484 : memref<1x128x32xf32, #tpu.memory_space<hbm>> -> memref<128x32xf32, #tpu.memory_space<hbm>>
        %dma_wait3A_486 = arith.constant 0 : i32
        %dma_wait3A_487 = arith.constant 0 : i32
        %dma_wait3A_488 = tpu.memref_slice %arg7[%dma_wait3A_472, %dma_wait3A_486, %dma_wait3A_487] : memref<4x128x32xf32, #tpu.memory_space<vmem>> -> memref<1x128x32xf32, #tpu.memory_space<vmem>>
        %dma_wait3A_489 = tpu.memref_squeeze %dma_wait3A_488 : memref<1x128x32xf32, #tpu.memory_space<vmem>> -> memref<128x32xf32, #tpu.memory_space<vmem>>
        tpu.wait_dma2 semaphore(%arg13 : memref<!tpu.dma_semaphore, #tpu.memory_space<semaphore_mem>>) src(%dma_wait3A_489 : memref<128x32xf32, #tpu.memory_space<vmem>>) dst(%dma_wait3A_485 : memref<128x32xf32, #tpu.memory_space<hbm>>)
        %dma_wait3A_490 = arith.constant 2 : i32
        %dma_wait3A_491 = arith.constant 0 : i32
        %dma_wait3A_492 = arith.constant 0 : i32
        %dma_wait3A_493 = arith.constant 0 : i32
        %dma_wait3A_494 = tpu.memref_slice %arg7[%dma_wait3A_490, %dma_wait3A_492, %dma_wait3A_493] : memref<4x128x32xf32, #tpu.memory_space<vmem>> -> memref<1x128x32xf32, #tpu.memory_space<vmem>>
        %dma_wait3A_495 = tpu.memref_squeeze %dma_wait3A_494 : memref<1x128x32xf32, #tpu.memory_space<vmem>> -> memref<128x32xf32, #tpu.memory_space<vmem>>
        %dma_wait3A_496 = arith.constant 0 : i32
        %dma_wait3A_497 = arith.constant 0 : i32
        %dma_wait3A_498 = tpu.memref_slice %arg4[%dma_wait3A_491, %dma_wait3A_496, %dma_wait3A_497] : memref<25600x128x32xf32, #tpu.memory_space<hbm>> -> memref<1x128x32xf32, #tpu.memory_space<hbm>>
        %dma_wait3A_499 = tpu.memref_squeeze %dma_wait3A_498 : memref<1x128x32xf32, #tpu.memory_space<hbm>> -> memref<128x32xf32, #tpu.memory_space<hbm>>
        %dma_wait3A_500 = arith.constant 0 : i32
        %dma_wait3A_501 = arith.constant 0 : i32
        %dma_wait3A_502 = tpu.memref_slice %arg4[%dma_wait3A_491, %dma_wait3A_500, %dma_wait3A_501] : memref<25600x128x32xf32, #tpu.memory_space<hbm>> -> memref<1x128x32xf32, #tpu.memory_space<hbm>>
        %dma_wait3A_503 = tpu.memref_squeeze %dma_wait3A_502 : memref<1x128x32xf32, #tpu.memory_space<hbm>> -> memref<128x32xf32, #tpu.memory_space<hbm>>
        %dma_wait3A_504 = arith.constant 0 : i32
        %dma_wait3A_505 = arith.constant 0 : i32
        %dma_wait3A_506 = tpu.memref_slice %arg7[%dma_wait3A_490, %dma_wait3A_504, %dma_wait3A_505] : memref<4x128x32xf32, #tpu.memory_space<vmem>> -> memref<1x128x32xf32, #tpu.memory_space<vmem>>
        %dma_wait3A_507 = tpu.memref_squeeze %dma_wait3A_506 : memref<1x128x32xf32, #tpu.memory_space<vmem>> -> memref<128x32xf32, #tpu.memory_space<vmem>>
        tpu.wait_dma2 semaphore(%arg13 : memref<!tpu.dma_semaphore, #tpu.memory_space<semaphore_mem>>) src(%dma_wait3A_507 : memref<128x32xf32, #tpu.memory_space<vmem>>) dst(%dma_wait3A_503 : memref<128x32xf32, #tpu.memory_space<hbm>>)
        %dma_wait3A_508 = arith.constant 3 : i32
        %dma_wait3A_509 = arith.constant 0 : i32
        %dma_wait3A_510 = arith.constant 0 : i32
        %dma_wait3A_511 = arith.constant 0 : i32
        %dma_wait3A_512 = tpu.memref_slice %arg7[%dma_wait3A_508, %dma_wait3A_510, %dma_wait3A_511] : memref<4x128x32xf32, #tpu.memory_space<vmem>> -> memref<1x128x32xf32, #tpu.memory_space<vmem>>
        %dma_wait3A_513 = tpu.memref_squeeze %dma_wait3A_512 : memref<1x128x32xf32, #tpu.memory_space<vmem>> -> memref<128x32xf32, #tpu.memory_space<vmem>>
        %dma_wait3A_514 = arith.constant 0 : i32
        %dma_wait3A_515 = arith.constant 0 : i32
        %dma_wait3A_516 = tpu.memref_slice %arg4[%dma_wait3A_509, %dma_wait3A_514, %dma_wait3A_515] : memref<25600x128x32xf32, #tpu.memory_space<hbm>> -> memref<1x128x32xf32, #tpu.memory_space<hbm>>
        %dma_wait3A_517 = tpu.memref_squeeze %dma_wait3A_516 : memref<1x128x32xf32, #tpu.memory_space<hbm>> -> memref<128x32xf32, #tpu.memory_space<hbm>>
        %dma_wait3A_518 = arith.constant 0 : i32
        %dma_wait3A_519 = arith.constant 0 : i32
        %dma_wait3A_520 = tpu.memref_slice %arg4[%dma_wait3A_509, %dma_wait3A_518, %dma_wait3A_519] : memref<25600x128x32xf32, #tpu.memory_space<hbm>> -> memref<1x128x32xf32, #tpu.memory_space<hbm>>
        %dma_wait3A_521 = tpu.memref_squeeze %dma_wait3A_520 : memref<1x128x32xf32, #tpu.memory_space<hbm>> -> memref<128x32xf32, #tpu.memory_space<hbm>>
        %dma_wait3A_522 = arith.constant 0 : i32
        %dma_wait3A_523 = arith.constant 0 : i32
        %dma_wait3A_524 = tpu.memref_slice %arg7[%dma_wait3A_508, %dma_wait3A_522, %dma_wait3A_523] : memref<4x128x32xf32, #tpu.memory_space<vmem>> -> memref<1x128x32xf32, #tpu.memory_space<vmem>>
        %dma_wait3A_525 = tpu.memref_squeeze %dma_wait3A_524 : memref<1x128x32xf32, #tpu.memory_space<vmem>> -> memref<128x32xf32, #tpu.memory_space<vmem>>
        tpu.wait_dma2 semaphore(%arg13 : memref<!tpu.dma_semaphore, #tpu.memory_space<semaphore_mem>>) src(%dma_wait3A_525 : memref<128x32xf32, #tpu.memory_space<vmem>>) dst(%dma_wait3A_521 : memref<128x32xf32, #tpu.memory_space<hbm>>)
      } else {
      }
      %dma_start3A_331 = arith.constant 0 : i32
      %dma_start3A_332 = arith.constant 0 : i32
      %dma_start3A_333 = arith.constant 0 : i32
      %dma_start3A_334 = arith.constant 0 : i32
      %dma_start3A_335 = tpu.memref_slice %arg7[%dma_start3A_332, %dma_start3A_333, %dma_start3A_334] : memref<4x128x32xf32, #tpu.memory_space<vmem>> -> memref<1x128x32xf32, #tpu.memory_space<vmem>>
      %dma_start3A_336 = tpu.memref_squeeze %dma_start3A_335 : memref<1x128x32xf32, #tpu.memory_space<vmem>> -> memref<128x32xf32, #tpu.memory_space<vmem>>
      %dma_start3A_337 = arith.constant 0 : i32
      %dma_start3A_338 = tpu.memref_slice %arg5[%dma_start3A_331, %dma_start3A_337] : memref<4x128xi32, #tpu.memory_space<vmem>> -> memref<1x128xi32, #tpu.memory_space<vmem>>
      %dma_start3A_339 = tpu.memref_squeeze %dma_start3A_338 : memref<1x128xi32, #tpu.memory_space<vmem>> -> memref<128xi32, #tpu.memory_space<vmem>>
      %dma_start3A_340 = arith.constant 0 : i32
      %dma_start3A_341 = arith.constant 0 : i32
      %dma_start3A_342 = tpu.memref_slice %arg3[%dma_start3A_340, %dma_start3A_341] : memref<1000000x32xf32, #tpu.memory_space<hbm>> -> memref<1000000x32xf32, #tpu.memory_space<hbm>>
      tpu.enqueue_indirect_dma source(%dma_start3A_342 : memref<1000000x32xf32, #tpu.memory_space<hbm>>) target(%dma_start3A_336 : memref<128x32xf32, #tpu.memory_space<vmem>>) offsets(%dma_start3A_339 : memref<128xi32, #tpu.memory_space<vmem>>) semaphore(%arg11 : memref<!tpu.dma_semaphore, #tpu.memory_space<semaphore_mem>>)
      %dma_start3A_343 = arith.constant 1 : i32
      %dma_start3A_344 = arith.constant 1 : i32
      %dma_start3A_345 = arith.constant 0 : i32
      %dma_start3A_346 = arith.constant 0 : i32
      %dma_start3A_347 = tpu.memref_slice %arg7[%dma_start3A_344, %dma_start3A_345, %dma_start3A_346] : memref<4x128x32xf32, #tpu.memory_space<vmem>> -> memref<1x128x32xf32, #tpu.memory_space<vmem>>
      %dma_start3A_348 = tpu.memref_squeeze %dma_start3A_347 : memref<1x128x32xf32, #tpu.memory_space<vmem>> -> memref<128x32xf32, #tpu.memory_space<vmem>>
      %dma_start3A_349 = arith.constant 0 : i32
      %dma_start3A_350 = tpu.memref_slice %arg5[%dma_start3A_343, %dma_start3A_349] : memref<4x128xi32, #tpu.memory_space<vmem>> -> memref<1x128xi32, #tpu.memory_space<vmem>>
      %dma_start3A_351 = tpu.memref_squeeze %dma_start3A_350 : memref<1x128xi32, #tpu.memory_space<vmem>> -> memref<128xi32, #tpu.memory_space<vmem>>
      %dma_start3A_352 = arith.constant 0 : i32
      %dma_start3A_353 = arith.constant 0 : i32
      %dma_start3A_354 = tpu.memref_slice %arg3[%dma_start3A_352, %dma_start3A_353] : memref<1000000x32xf32, #tpu.memory_space<hbm>> -> memref<1000000x32xf32, #tpu.memory_space<hbm>>
      tpu.enqueue_indirect_dma source(%dma_start3A_354 : memref<1000000x32xf32, #tpu.memory_space<hbm>>) target(%dma_start3A_348 : memref<128x32xf32, #tpu.memory_space<vmem>>) offsets(%dma_start3A_351 : memref<128xi32, #tpu.memory_space<vmem>>) semaphore(%arg11 : memref<!tpu.dma_semaphore, #tpu.memory_space<semaphore_mem>>)
      %dma_start3A_355 = arith.constant 2 : i32
      %dma_start3A_356 = arith.constant 2 : i32
      %dma_start3A_357 = arith.constant 0 : i32
      %dma_start3A_358 = arith.constant 0 : i32
      %dma_start3A_359 = tpu.memref_slice %arg7[%dma_start3A_356, %dma_start3A_357, %dma_start3A_358] : memref<4x128x32xf32, #tpu.memory_space<vmem>> -> memref<1x128x32xf32, #tpu.memory_space<vmem>>
      %dma_start3A_360 = tpu.memref_squeeze %dma_start3A_359 : memref<1x128x32xf32, #tpu.memory_space<vmem>> -> memref<128x32xf32, #tpu.memory_space<vmem>>
      %dma_start3A_361 = arith.constant 0 : i32
      %dma_start3A_362 = tpu.memref_slice %arg5[%dma_start3A_355, %dma_start3A_361] : memref<4x128xi32, #tpu.memory_space<vmem>> -> memref<1x128xi32, #tpu.memory_space<vmem>>
      %dma_start3A_363 = tpu.memref_squeeze %dma_start3A_362 : memref<1x128xi32, #tpu.memory_space<vmem>> -> memref<128xi32, #tpu.memory_space<vmem>>
      %dma_start3A_364 = arith.constant 0 : i32
      %dma_start3A_365 = arith.constant 0 : i32
      %dma_start3A_366 = tpu.memref_slice %arg3[%dma_start3A_364, %dma_start3A_365] : memref<1000000x32xf32, #tpu.memory_space<hbm>> -> memref<1000000x32xf32, #tpu.memory_space<hbm>>
      tpu.enqueue_indirect_dma source(%dma_start3A_366 : memref<1000000x32xf32, #tpu.memory_space<hbm>>) target(%dma_start3A_360 : memref<128x32xf32, #tpu.memory_space<vmem>>) offsets(%dma_start3A_363 : memref<128xi32, #tpu.memory_space<vmem>>) semaphore(%arg11 : memref<!tpu.dma_semaphore, #tpu.memory_space<semaphore_mem>>)
      %dma_start3A_367 = arith.constant 3 : i32
      %dma_start3A_368 = arith.constant 3 : i32
      %dma_start3A_369 = arith.constant 0 : i32
      %dma_start3A_370 = arith.constant 0 : i32
      %dma_start3A_371 = tpu.memref_slice %arg7[%dma_start3A_368, %dma_start3A_369, %dma_start3A_370] : memref<4x128x32xf32, #tpu.memory_space<vmem>> -> memref<1x128x32xf32, #tpu.memory_space<vmem>>
      %dma_start3A_372 = tpu.memref_squeeze %dma_start3A_371 : memref<1x128x32xf32, #tpu.memory_space<vmem>> -> memref<128x32xf32, #tpu.memory_space<vmem>>
      %dma_start3A_373 = arith.constant 0 : i32
      %dma_start3A_374 = tpu.memref_slice %arg5[%dma_start3A_367, %dma_start3A_373] : memref<4x128xi32, #tpu.memory_space<vmem>> -> memref<1x128xi32, #tpu.memory_space<vmem>>
      %dma_start3A_375 = tpu.memref_squeeze %dma_start3A_374 : memref<1x128xi32, #tpu.memory_space<vmem>> -> memref<128xi32, #tpu.memory_space<vmem>>
      %dma_start3A_376 = arith.constant 0 : i32
      %dma_start3A_377 = arith.constant 0 : i32
      %dma_start3A_378 = tpu.memref_slice %arg3[%dma_start3A_376, %dma_start3A_377] : memref<1000000x32xf32, #tpu.memory_space<hbm>> -> memref<1000000x32xf32, #tpu.memory_space<hbm>>
      tpu.enqueue_indirect_dma source(%dma_start3A_378 : memref<1000000x32xf32, #tpu.memory_space<hbm>>) target(%dma_start3A_372 : memref<128x32xf32, #tpu.memory_space<vmem>>) offsets(%dma_start3A_375 : memref<128xi32, #tpu.memory_space<vmem>>) semaphore(%arg11 : memref<!tpu.dma_semaphore, #tpu.memory_space<semaphore_mem>>)
      %gt3A_379 = arith.constant 0 : i32
      %gt3A_380 = arith.cmpi sgt, %add3A_320, %gt3A_379 : i32
      %convert_element_type3A_381 = arith.extui %gt3A_380 : i1 to i32
      %cond3A_382 = arith.constant 0 : i32
      %cond3A_383 = arith.cmpi ne, %convert_element_type3A_381, %cond3A_382 : i32
      scf.if %cond3A_383 {
        %dma_wait3A_454 = arith.constant 0 : i32
        %dma_wait3A_455 = arith.constant 0 : i32
        %dma_wait3A_456 = arith.constant 0 : i32
        %dma_wait3A_457 = tpu.memref_slice %arg8[%dma_wait3A_454, %dma_wait3A_455, %dma_wait3A_456] : memref<4x128x32xf32, #tpu.memory_space<vmem>> -> memref<1x128x32xf32, #tpu.memory_space<vmem>>
        %dma_wait3A_458 = tpu.memref_squeeze %dma_wait3A_457 : memref<1x128x32xf32, #tpu.memory_space<vmem>> -> memref<128x32xf32, #tpu.memory_space<vmem>>
        %dma_wait3A_459 = arith.constant 0 : i32
        %dma_wait3A_460 = arith.constant 0 : i32
        %dma_wait3A_461 = tpu.memref_slice %arg3[%dma_wait3A_459, %dma_wait3A_460] : memref<1000000x32xf32, #tpu.memory_space<hbm>> -> memref<128x32xf32, #tpu.memory_space<hbm>>
        %dma_wait3A_462 = arith.constant 0 : i32
        %dma_wait3A_463 = arith.constant 0 : i32
        %dma_wait3A_464 = tpu.memref_slice %arg8[%dma_wait3A_454, %dma_wait3A_462, %dma_wait3A_463] : memref<4x128x32xf32, #tpu.memory_space<vmem>> -> memref<1x128x32xf32, #tpu.memory_space<vmem>>
        %dma_wait3A_465 = tpu.memref_squeeze %dma_wait3A_464 : memref<1x128x32xf32, #tpu.memory_space<vmem>> -> memref<128x32xf32, #tpu.memory_space<vmem>>
        %dma_wait3A_466 = arith.constant 0 : i32
        %dma_wait3A_467 = arith.constant 0 : i32
        %dma_wait3A_468 = tpu.memref_slice %arg3[%dma_wait3A_466, %dma_wait3A_467] : memref<1000000x32xf32, #tpu.memory_space<hbm>> -> memref<128x32xf32, #tpu.memory_space<hbm>>
        tpu.wait_dma2 semaphore(%arg12 : memref<!tpu.dma_semaphore, #tpu.memory_space<semaphore_mem>>) src(%dma_wait3A_468 : memref<128x32xf32, #tpu.memory_space<hbm>>) dst(%dma_wait3A_465 : memref<128x32xf32, #tpu.memory_space<vmem>>)
        %dma_wait3A_469 = arith.constant 1 : i32
        %dma_wait3A_470 = arith.constant 0 : i32
        %dma_wait3A_471 = arith.constant 0 : i32
        %dma_wait3A_472 = tpu.memref_slice %arg8[%dma_wait3A_469, %dma_wait3A_470, %dma_wait3A_471] : memref<4x128x32xf32, #tpu.memory_space<vmem>> -> memref<1x128x32xf32, #tpu.memory_space<vmem>>
        %dma_wait3A_473 = tpu.memref_squeeze %dma_wait3A_472 : memref<1x128x32xf32, #tpu.memory_space<vmem>> -> memref<128x32xf32, #tpu.memory_space<vmem>>
        %dma_wait3A_474 = arith.constant 0 : i32
        %dma_wait3A_475 = arith.constant 0 : i32
        %dma_wait3A_476 = tpu.memref_slice %arg3[%dma_wait3A_474, %dma_wait3A_475] : memref<1000000x32xf32, #tpu.memory_space<hbm>> -> memref<128x32xf32, #tpu.memory_space<hbm>>
        %dma_wait3A_477 = arith.constant 0 : i32
        %dma_wait3A_478 = arith.constant 0 : i32
        %dma_wait3A_479 = tpu.memref_slice %arg8[%dma_wait3A_469, %dma_wait3A_477, %dma_wait3A_478] : memref<4x128x32xf32, #tpu.memory_space<vmem>> -> memref<1x128x32xf32, #tpu.memory_space<vmem>>
        %dma_wait3A_480 = tpu.memref_squeeze %dma_wait3A_479 : memref<1x128x32xf32, #tpu.memory_space<vmem>> -> memref<128x32xf32, #tpu.memory_space<vmem>>
        %dma_wait3A_481 = arith.constant 0 : i32
        %dma_wait3A_482 = arith.constant 0 : i32
        %dma_wait3A_483 = tpu.memref_slice %arg3[%dma_wait3A_481, %dma_wait3A_482] : memref<1000000x32xf32, #tpu.memory_space<hbm>> -> memref<128x32xf32, #tpu.memory_space<hbm>>
        tpu.wait_dma2 semaphore(%arg12 : memref<!tpu.dma_semaphore, #tpu.memory_space<semaphore_mem>>) src(%dma_wait3A_483 : memref<128x32xf32, #tpu.memory_space<hbm>>) dst(%dma_wait3A_480 : memref<128x32xf32, #tpu.memory_space<vmem>>)
        %dma_wait3A_484 = arith.constant 2 : i32
        %dma_wait3A_485 = arith.constant 0 : i32
        %dma_wait3A_486 = arith.constant 0 : i32
        %dma_wait3A_487 = tpu.memref_slice %arg8[%dma_wait3A_484, %dma_wait3A_485, %dma_wait3A_486] : memref<4x128x32xf32, #tpu.memory_space<vmem>> -> memref<1x128x32xf32, #tpu.memory_space<vmem>>
        %dma_wait3A_488 = tpu.memref_squeeze %dma_wait3A_487 : memref<1x128x32xf32, #tpu.memory_space<vmem>> -> memref<128x32xf32, #tpu.memory_space<vmem>>
        %dma_wait3A_489 = arith.constant 0 : i32
        %dma_wait3A_490 = arith.constant 0 : i32
        %dma_wait3A_491 = tpu.memref_slice %arg3[%dma_wait3A_489, %dma_wait3A_490] : memref<1000000x32xf32, #tpu.memory_space<hbm>> -> memref<128x32xf32, #tpu.memory_space<hbm>>
        %dma_wait3A_492 = arith.constant 0 : i32
        %dma_wait3A_493 = arith.constant 0 : i32
        %dma_wait3A_494 = tpu.memref_slice %arg8[%dma_wait3A_484, %dma_wait3A_492, %dma_wait3A_493] : memref<4x128x32xf32, #tpu.memory_space<vmem>> -> memref<1x128x32xf32, #tpu.memory_space<vmem>>
        %dma_wait3A_495 = tpu.memref_squeeze %dma_wait3A_494 : memref<1x128x32xf32, #tpu.memory_space<vmem>> -> memref<128x32xf32, #tpu.memory_space<vmem>>
        %dma_wait3A_496 = arith.constant 0 : i32
        %dma_wait3A_497 = arith.constant 0 : i32
        %dma_wait3A_498 = tpu.memref_slice %arg3[%dma_wait3A_496, %dma_wait3A_497] : memref<1000000x32xf32, #tpu.memory_space<hbm>> -> memref<128x32xf32, #tpu.memory_space<hbm>>
        tpu.wait_dma2 semaphore(%arg12 : memref<!tpu.dma_semaphore, #tpu.memory_space<semaphore_mem>>) src(%dma_wait3A_498 : memref<128x32xf32, #tpu.memory_space<hbm>>) dst(%dma_wait3A_495 : memref<128x32xf32, #tpu.memory_space<vmem>>)
        %dma_wait3A_499 = arith.constant 3 : i32
        %dma_wait3A_500 = arith.constant 0 : i32
        %dma_wait3A_501 = arith.constant 0 : i32
        %dma_wait3A_502 = tpu.memref_slice %arg8[%dma_wait3A_499, %dma_wait3A_500, %dma_wait3A_501] : memref<4x128x32xf32, #tpu.memory_space<vmem>> -> memref<1x128x32xf32, #tpu.memory_space<vmem>>
        %dma_wait3A_503 = tpu.memref_squeeze %dma_wait3A_502 : memref<1x128x32xf32, #tpu.memory_space<vmem>> -> memref<128x32xf32, #tpu.memory_space<vmem>>
        %dma_wait3A_504 = arith.constant 0 : i32
        %dma_wait3A_505 = arith.constant 0 : i32
        %dma_wait3A_506 = tpu.memref_slice %arg3[%dma_wait3A_504, %dma_wait3A_505] : memref<1000000x32xf32, #tpu.memory_space<hbm>> -> memref<128x32xf32, #tpu.memory_space<hbm>>
        %dma_wait3A_507 = arith.constant 0 : i32
        %dma_wait3A_508 = arith.constant 0 : i32
        %dma_wait3A_509 = tpu.memref_slice %arg8[%dma_wait3A_499, %dma_wait3A_507, %dma_wait3A_508] : memref<4x128x32xf32, #tpu.memory_space<vmem>> -> memref<1x128x32xf32, #tpu.memory_space<vmem>>
        %dma_wait3A_510 = tpu.memref_squeeze %dma_wait3A_509 : memref<1x128x32xf32, #tpu.memory_space<vmem>> -> memref<128x32xf32, #tpu.memory_space<vmem>>
        %dma_wait3A_511 = arith.constant 0 : i32
        %dma_wait3A_512 = arith.constant 0 : i32
        %dma_wait3A_513 = tpu.memref_slice %arg3[%dma_wait3A_511, %dma_wait3A_512] : memref<1000000x32xf32, #tpu.memory_space<hbm>> -> memref<128x32xf32, #tpu.memory_space<hbm>>
        tpu.wait_dma2 semaphore(%arg12 : memref<!tpu.dma_semaphore, #tpu.memory_space<semaphore_mem>>) src(%dma_wait3A_513 : memref<128x32xf32, #tpu.memory_space<hbm>>) dst(%dma_wait3A_510 : memref<128x32xf32, #tpu.memory_space<vmem>>)
        %add3A_514 = arith.constant 1 : i32
        %add3A_515 = arith.addi %add3A_320, %add3A_514 : i32
        %lt3A = arith.constant 200 : i32
        %lt3A_516 = arith.cmpi slt, %add3A_515, %lt3A : i32
        %convert_element_type3A_517 = arith.extui %lt3A_516 : i1 to i32
        %cond3A_518 = arith.constant 0 : i32
        %cond3A_519 = arith.cmpi ne, %convert_element_type3A_517, %cond3A_518 : i32
        scf.if %cond3A_519 {
          %add3A_617 = arith.constant 1 : i32
          %add3A_618 = arith.addi %add3A_320, %add3A_617 : i32
          %mul3A_619 = arith.constant 128 : i32
          %mul3A_620 = arith.muli %add3A_618, %mul3A_619 : i32
          %mul3A_621 = arith.constant 4 : i32
          %mul3A_622 = arith.muli %add3A, %mul3A_621 : i32
          %add3A_623 = arith.addi %mul3A_620, %mul3A_622 : i32
          %dma_start3A_624 = arith.constant 0 : i32
          %dma_start3A_625 = tpu.memref_slice %arg2[%add3A_623, %dma_start3A_624] : memref<25600x128xi32, #tpu.memory_space<hbm>> -> memref<4x128xi32, #tpu.memory_space<hbm>>
          %dma_start3A_626 = arith.constant 0 : i32
          %dma_start3A_627 = tpu.memref_slice %arg2[%add3A_623, %dma_start3A_626] : memref<25600x128xi32, #tpu.memory_space<hbm>> -> memref<4x128xi32, #tpu.memory_space<hbm>>
          tpu.enqueue_dma source(%dma_start3A_627 : memref<4x128xi32, #tpu.memory_space<hbm>>) target(%arg6 : memref<4x128xi32, #tpu.memory_space<vmem>>) target_semaphore(%arg10 : memref<!tpu.dma_semaphore, #tpu.memory_space<semaphore_mem>>)
        } else {
        }
        %sub3A = arith.constant 1 : i32
        %sub3A_520 = arith.subi %add3A_320, %sub3A : i32
        %mul3A_521 = arith.constant 128 : i32
        %mul3A_522 = arith.muli %sub3A_520, %mul3A_521 : i32
        %mul3A_523 = arith.constant 4 : i32
        %mul3A_524 = arith.muli %add3A, %mul3A_523 : i32
        %add3A_525 = arith.addi %mul3A_522, %mul3A_524 : i32
        %add3A_526 = arith.constant 0 : i32
        %add3A_527 = arith.addi %add3A_525, %add3A_526 : i32
        %dma_start3A_528 = arith.constant 0 : i32
        %dma_start3A_529 = arith.constant 0 : i32
        %dma_start3A_530 = arith.constant 0 : i32
        %dma_start3A_531 = tpu.memref_slice %arg8[%dma_start3A_528, %dma_start3A_529, %dma_start3A_530] : memref<4x128x32xf32, #tpu.memory_space<vmem>> -> memref<1x128x32xf32, #tpu.memory_space<vmem>>
        %dma_start3A_532 = tpu.memref_squeeze %dma_start3A_531 : memref<1x128x32xf32, #tpu.memory_space<vmem>> -> memref<128x32xf32, #tpu.memory_space<vmem>>
        %dma_start3A_533 = arith.constant 0 : i32
        %dma_start3A_534 = arith.constant 0 : i32
        %dma_start3A_535 = tpu.memref_slice %arg4[%add3A_527, %dma_start3A_533, %dma_start3A_534] : memref<25600x128x32xf32, #tpu.memory_space<hbm>> -> memref<1x128x32xf32, #tpu.memory_space<hbm>>
        %dma_start3A_536 = tpu.memref_squeeze %dma_start3A_535 : memref<1x128x32xf32, #tpu.memory_space<hbm>> -> memref<128x32xf32, #tpu.memory_space<hbm>>
        %dma_start3A_537 = arith.constant 0 : i32
        %dma_start3A_538 = arith.constant 0 : i32
        %dma_start3A_539 = tpu.memref_slice %arg4[%add3A_527, %dma_start3A_537, %dma_start3A_538] : memref<25600x128x32xf32, #tpu.memory_space<hbm>> -> memref<1x128x32xf32, #tpu.memory_space<hbm>>
        %dma_start3A_540 = tpu.memref_squeeze %dma_start3A_539 : memref<1x128x32xf32, #tpu.memory_space<hbm>> -> memref<128x32xf32, #tpu.memory_space<hbm>>
        %dma_start3A_541 = arith.constant 0 : i32
        %dma_start3A_542 = arith.constant 0 : i32
        %dma_start3A_543 = tpu.memref_slice %arg8[%dma_start3A_528, %dma_start3A_541, %dma_start3A_542] : memref<4x128x32xf32, #tpu.memory_space<vmem>> -> memref<1x128x32xf32, #tpu.memory_space<vmem>>
        %dma_start3A_544 = tpu.memref_squeeze %dma_start3A_543 : memref<1x128x32xf32, #tpu.memory_space<vmem>> -> memref<128x32xf32, #tpu.memory_space<vmem>>
        tpu.enqueue_dma source(%dma_start3A_544 : memref<128x32xf32, #tpu.memory_space<vmem>>) target(%dma_start3A_540 : memref<128x32xf32, #tpu.memory_space<hbm>>) target_semaphore(%arg14 : memref<!tpu.dma_semaphore, #tpu.memory_space<semaphore_mem>>)
        %mul3A_545 = arith.constant 128 : i32
        %mul3A_546 = arith.muli %sub3A_520, %mul3A_545 : i32
        %mul3A_547 = arith.constant 4 : i32
        %mul3A_548 = arith.muli %add3A, %mul3A_547 : i32
        %add3A_549 = arith.addi %mul3A_546, %mul3A_548 : i32
        %add3A_550 = arith.constant 1 : i32
        %add3A_551 = arith.addi %add3A_549, %add3A_550 : i32
        %dma_start3A_552 = arith.constant 1 : i32
        %dma_start3A_553 = arith.constant 0 : i32
        %dma_start3A_554 = arith.constant 0 : i32
        %dma_start3A_555 = tpu.memref_slice %arg8[%dma_start3A_552, %dma_start3A_553, %dma_start3A_554] : memref<4x128x32xf32, #tpu.memory_space<vmem>> -> memref<1x128x32xf32, #tpu.memory_space<vmem>>
        %dma_start3A_556 = tpu.memref_squeeze %dma_start3A_555 : memref<1x128x32xf32, #tpu.memory_space<vmem>> -> memref<128x32xf32, #tpu.memory_space<vmem>>
        %dma_start3A_557 = arith.constant 0 : i32
        %dma_start3A_558 = arith.constant 0 : i32
        %dma_start3A_559 = tpu.memref_slice %arg4[%add3A_551, %dma_start3A_557, %dma_start3A_558] : memref<25600x128x32xf32, #tpu.memory_space<hbm>> -> memref<1x128x32xf32, #tpu.memory_space<hbm>>
        %dma_start3A_560 = tpu.memref_squeeze %dma_start3A_559 : memref<1x128x32xf32, #tpu.memory_space<hbm>> -> memref<128x32xf32, #tpu.memory_space<hbm>>
        %dma_start3A_561 = arith.constant 0 : i32
        %dma_start3A_562 = arith.constant 0 : i32
        %dma_start3A_563 = tpu.memref_slice %arg4[%add3A_551, %dma_start3A_561, %dma_start3A_562] : memref<25600x128x32xf32, #tpu.memory_space<hbm>> -> memref<1x128x32xf32, #tpu.memory_space<hbm>>
        %dma_start3A_564 = tpu.memref_squeeze %dma_start3A_563 : memref<1x128x32xf32, #tpu.memory_space<hbm>> -> memref<128x32xf32, #tpu.memory_space<hbm>>
        %dma_start3A_565 = arith.constant 0 : i32
        %dma_start3A_566 = arith.constant 0 : i32
        %dma_start3A_567 = tpu.memref_slice %arg8[%dma_start3A_552, %dma_start3A_565, %dma_start3A_566] : memref<4x128x32xf32, #tpu.memory_space<vmem>> -> memref<1x128x32xf32, #tpu.memory_space<vmem>>
        %dma_start3A_568 = tpu.memref_squeeze %dma_start3A_567 : memref<1x128x32xf32, #tpu.memory_space<vmem>> -> memref<128x32xf32, #tpu.memory_space<vmem>>
        tpu.enqueue_dma source(%dma_start3A_568 : memref<128x32xf32, #tpu.memory_space<vmem>>) target(%dma_start3A_564 : memref<128x32xf32, #tpu.memory_space<hbm>>) target_semaphore(%arg14 : memref<!tpu.dma_semaphore, #tpu.memory_space<semaphore_mem>>)
        %mul3A_569 = arith.constant 128 : i32
        %mul3A_570 = arith.muli %sub3A_520, %mul3A_569 : i32
        %mul3A_571 = arith.constant 4 : i32
        %mul3A_572 = arith.muli %add3A, %mul3A_571 : i32
        %add3A_573 = arith.addi %mul3A_570, %mul3A_572 : i32
        %add3A_574 = arith.constant 2 : i32
        %add3A_575 = arith.addi %add3A_573, %add3A_574 : i32
        %dma_start3A_576 = arith.constant 2 : i32
        %dma_start3A_577 = arith.constant 0 : i32
        %dma_start3A_578 = arith.constant 0 : i32
        %dma_start3A_579 = tpu.memref_slice %arg8[%dma_start3A_576, %dma_start3A_577, %dma_start3A_578] : memref<4x128x32xf32, #tpu.memory_space<vmem>> -> memref<1x128x32xf32, #tpu.memory_space<vmem>>
        %dma_start3A_580 = tpu.memref_squeeze %dma_start3A_579 : memref<1x128x32xf32, #tpu.memory_space<vmem>> -> memref<128x32xf32, #tpu.memory_space<vmem>>
        %dma_start3A_581 = arith.constant 0 : i32
        %dma_start3A_582 = arith.constant 0 : i32
        %dma_start3A_583 = tpu.memref_slice %arg4[%add3A_575, %dma_start3A_581, %dma_start3A_582] : memref<25600x128x32xf32, #tpu.memory_space<hbm>> -> memref<1x128x32xf32, #tpu.memory_space<hbm>>
        %dma_start3A_584 = tpu.memref_squeeze %dma_start3A_583 : memref<1x128x32xf32, #tpu.memory_space<hbm>> -> memref<128x32xf32, #tpu.memory_space<hbm>>
        %dma_start3A_585 = arith.constant 0 : i32
        %dma_start3A_586 = arith.constant 0 : i32
        %dma_start3A_587 = tpu.memref_slice %arg4[%add3A_575, %dma_start3A_585, %dma_start3A_586] : memref<25600x128x32xf32, #tpu.memory_space<hbm>> -> memref<1x128x32xf32, #tpu.memory_space<hbm>>
        %dma_start3A_588 = tpu.memref_squeeze %dma_start3A_587 : memref<1x128x32xf32, #tpu.memory_space<hbm>> -> memref<128x32xf32, #tpu.memory_space<hbm>>
        %dma_start3A_589 = arith.constant 0 : i32
        %dma_start3A_590 = arith.constant 0 : i32
        %dma_start3A_591 = tpu.memref_slice %arg8[%dma_start3A_576, %dma_start3A_589, %dma_start3A_590] : memref<4x128x32xf32, #tpu.memory_space<vmem>> -> memref<1x128x32xf32, #tpu.memory_space<vmem>>
        %dma_start3A_592 = tpu.memref_squeeze %dma_start3A_591 : memref<1x128x32xf32, #tpu.memory_space<vmem>> -> memref<128x32xf32, #tpu.memory_space<vmem>>
        tpu.enqueue_dma source(%dma_start3A_592 : memref<128x32xf32, #tpu.memory_space<vmem>>) target(%dma_start3A_588 : memref<128x32xf32, #tpu.memory_space<hbm>>) target_semaphore(%arg14 : memref<!tpu.dma_semaphore, #tpu.memory_space<semaphore_mem>>)
        %mul3A_593 = arith.constant 128 : i32
        %mul3A_594 = arith.muli %sub3A_520, %mul3A_593 : i32
        %mul3A_595 = arith.constant 4 : i32
        %mul3A_596 = arith.muli %add3A, %mul3A_595 : i32
        %add3A_597 = arith.addi %mul3A_594, %mul3A_596 : i32
        %add3A_598 = arith.constant 3 : i32
        %add3A_599 = arith.addi %add3A_597, %add3A_598 : i32
        %dma_start3A_600 = arith.constant 3 : i32
        %dma_start3A_601 = arith.constant 0 : i32
        %dma_start3A_602 = arith.constant 0 : i32
        %dma_start3A_603 = tpu.memref_slice %arg8[%dma_start3A_600, %dma_start3A_601, %dma_start3A_602] : memref<4x128x32xf32, #tpu.memory_space<vmem>> -> memref<1x128x32xf32, #tpu.memory_space<vmem>>
        %dma_start3A_604 = tpu.memref_squeeze %dma_start3A_603 : memref<1x128x32xf32, #tpu.memory_space<vmem>> -> memref<128x32xf32, #tpu.memory_space<vmem>>
        %dma_start3A_605 = arith.constant 0 : i32
        %dma_start3A_606 = arith.constant 0 : i32
        %dma_start3A_607 = tpu.memref_slice %arg4[%add3A_599, %dma_start3A_605, %dma_start3A_606] : memref<25600x128x32xf32, #tpu.memory_space<hbm>> -> memref<1x128x32xf32, #tpu.memory_space<hbm>>
        %dma_start3A_608 = tpu.memref_squeeze %dma_start3A_607 : memref<1x128x32xf32, #tpu.memory_space<hbm>> -> memref<128x32xf32, #tpu.memory_space<hbm>>
        %dma_start3A_609 = arith.constant 0 : i32
        %dma_start3A_610 = arith.constant 0 : i32
        %dma_start3A_611 = tpu.memref_slice %arg4[%add3A_599, %dma_start3A_609, %dma_start3A_610] : memref<25600x128x32xf32, #tpu.memory_space<hbm>> -> memref<1x128x32xf32, #tpu.memory_space<hbm>>
        %dma_start3A_612 = tpu.memref_squeeze %dma_start3A_611 : memref<1x128x32xf32, #tpu.memory_space<hbm>> -> memref<128x32xf32, #tpu.memory_space<hbm>>
        %dma_start3A_613 = arith.constant 0 : i32
        %dma_start3A_614 = arith.constant 0 : i32
        %dma_start3A_615 = tpu.memref_slice %arg8[%dma_start3A_600, %dma_start3A_613, %dma_start3A_614] : memref<4x128x32xf32, #tpu.memory_space<vmem>> -> memref<1x128x32xf32, #tpu.memory_space<vmem>>
        %dma_start3A_616 = tpu.memref_squeeze %dma_start3A_615 : memref<1x128x32xf32, #tpu.memory_space<vmem>> -> memref<128x32xf32, #tpu.memory_space<vmem>>
        tpu.enqueue_dma source(%dma_start3A_616 : memref<128x32xf32, #tpu.memory_space<vmem>>) target(%dma_start3A_612 : memref<128x32xf32, #tpu.memory_space<hbm>>) target_semaphore(%arg14 : memref<!tpu.dma_semaphore, #tpu.memory_space<semaphore_mem>>)
      } else {
      }
      %mul3A_384 = arith.constant 2 : i32
      %mul3A_385 = arith.muli %scan3A_316, %mul3A_384 : i32
      %add3A_386 = arith.constant 1 : i32
      %add3A_387 = arith.addi %mul3A_385, %add3A_386 : i32
      %mul3A_388 = arith.constant 4 : i32
      %mul3A_389 = arith.muli %add3A, %mul3A_388 : i32
      %add3A_390 = arith.constant 0 : i32
      %add3A_391 = arith.addi %add3A_390, %mul3A_389 : i32
      %dma_wait3A_392 = arith.constant 0 : i32
      %dma_wait3A_393 = tpu.memref_slice %arg2[%add3A_391, %dma_wait3A_392] : memref<25600x128xi32, #tpu.memory_space<hbm>> -> memref<4x128xi32, #tpu.memory_space<hbm>>
      %dma_wait3A_394 = arith.constant 0 : i32
      %dma_wait3A_395 = tpu.memref_slice %arg2[%add3A_391, %dma_wait3A_394] : memref<25600x128xi32, #tpu.memory_space<hbm>> -> memref<4x128xi32, #tpu.memory_space<hbm>>
      tpu.wait_dma2 semaphore(%arg10 : memref<!tpu.dma_semaphore, #tpu.memory_space<semaphore_mem>>) src(%dma_wait3A_395 : memref<4x128xi32, #tpu.memory_space<hbm>>) dst(%arg6 : memref<4x128xi32, #tpu.memory_space<vmem>>)
      %gt3A_396 = arith.constant 0 : i32
      %gt3A_397 = arith.cmpi sgt, %scan3A_316, %gt3A_396 : i32
      %convert_element_type3A_398 = arith.extui %gt3A_397 : i1 to i32
      %cond3A_399 = arith.constant 0 : i32
      %cond3A_400 = arith.cmpi ne, %convert_element_type3A_398, %cond3A_399 : i32
      scf.if %cond3A_400 {
        %dma_wait3A_454 = arith.constant 0 : i32
        %dma_wait3A_455 = arith.constant 0 : i32
        %dma_wait3A_456 = arith.constant 0 : i32
        %dma_wait3A_457 = arith.constant 0 : i32
        %dma_wait3A_458 = tpu.memref_slice %arg8[%dma_wait3A_454, %dma_wait3A_456, %dma_wait3A_457] : memref<4x128x32xf32, #tpu.memory_space<vmem>> -> memref<1x128x32xf32, #tpu.memory_space<vmem>>
        %dma_wait3A_459 = tpu.memref_squeeze %dma_wait3A_458 : memref<1x128x32xf32, #tpu.memory_space<vmem>> -> memref<128x32xf32, #tpu.memory_space<vmem>>
        %dma_wait3A_460 = arith.constant 0 : i32
        %dma_wait3A_461 = arith.constant 0 : i32
        %dma_wait3A_462 = tpu.memref_slice %arg4[%dma_wait3A_455, %dma_wait3A_460, %dma_wait3A_461] : memref<25600x128x32xf32, #tpu.memory_space<hbm>> -> memref<1x128x32xf32, #tpu.memory_space<hbm>>
        %dma_wait3A_463 = tpu.memref_squeeze %dma_wait3A_462 : memref<1x128x32xf32, #tpu.memory_space<hbm>> -> memref<128x32xf32, #tpu.memory_space<hbm>>
        %dma_wait3A_464 = arith.constant 0 : i32
        %dma_wait3A_465 = arith.constant 0 : i32
        %dma_wait3A_466 = tpu.memref_slice %arg4[%dma_wait3A_455, %dma_wait3A_464, %dma_wait3A_465] : memref<25600x128x32xf32, #tpu.memory_space<hbm>> -> memref<1x128x32xf32, #tpu.memory_space<hbm>>
        %dma_wait3A_467 = tpu.memref_squeeze %dma_wait3A_466 : memref<1x128x32xf32, #tpu.memory_space<hbm>> -> memref<128x32xf32, #tpu.memory_space<hbm>>
        %dma_wait3A_468 = arith.constant 0 : i32
        %dma_wait3A_469 = arith.constant 0 : i32
        %dma_wait3A_470 = tpu.memref_slice %arg8[%dma_wait3A_454, %dma_wait3A_468, %dma_wait3A_469] : memref<4x128x32xf32, #tpu.memory_space<vmem>> -> memref<1x128x32xf32, #tpu.memory_space<vmem>>
        %dma_wait3A_471 = tpu.memref_squeeze %dma_wait3A_470 : memref<1x128x32xf32, #tpu.memory_space<vmem>> -> memref<128x32xf32, #tpu.memory_space<vmem>>
        tpu.wait_dma2 semaphore(%arg14 : memref<!tpu.dma_semaphore, #tpu.memory_space<semaphore_mem>>) src(%dma_wait3A_471 : memref<128x32xf32, #tpu.memory_space<vmem>>) dst(%dma_wait3A_467 : memref<128x32xf32, #tpu.memory_space<hbm>>)
        %dma_wait3A_472 = arith.constant 1 : i32
        %dma_wait3A_473 = arith.constant 0 : i32
        %dma_wait3A_474 = arith.constant 0 : i32
        %dma_wait3A_475 = arith.constant 0 : i32
        %dma_wait3A_476 = tpu.memref_slice %arg8[%dma_wait3A_472, %dma_wait3A_474, %dma_wait3A_475] : memref<4x128x32xf32, #tpu.memory_space<vmem>> -> memref<1x128x32xf32, #tpu.memory_space<vmem>>
        %dma_wait3A_477 = tpu.memref_squeeze %dma_wait3A_476 : memref<1x128x32xf32, #tpu.memory_space<vmem>> -> memref<128x32xf32, #tpu.memory_space<vmem>>
        %dma_wait3A_478 = arith.constant 0 : i32
        %dma_wait3A_479 = arith.constant 0 : i32
        %dma_wait3A_480 = tpu.memref_slice %arg4[%dma_wait3A_473, %dma_wait3A_478, %dma_wait3A_479] : memref<25600x128x32xf32, #tpu.memory_space<hbm>> -> memref<1x128x32xf32, #tpu.memory_space<hbm>>
        %dma_wait3A_481 = tpu.memref_squeeze %dma_wait3A_480 : memref<1x128x32xf32, #tpu.memory_space<hbm>> -> memref<128x32xf32, #tpu.memory_space<hbm>>
        %dma_wait3A_482 = arith.constant 0 : i32
        %dma_wait3A_483 = arith.constant 0 : i32
        %dma_wait3A_484 = tpu.memref_slice %arg4[%dma_wait3A_473, %dma_wait3A_482, %dma_wait3A_483] : memref<25600x128x32xf32, #tpu.memory_space<hbm>> -> memref<1x128x32xf32, #tpu.memory_space<hbm>>
        %dma_wait3A_485 = tpu.memref_squeeze %dma_wait3A_484 : memref<1x128x32xf32, #tpu.memory_space<hbm>> -> memref<128x32xf32, #tpu.memory_space<hbm>>
        %dma_wait3A_486 = arith.constant 0 : i32
        %dma_wait3A_487 = arith.constant 0 : i32
        %dma_wait3A_488 = tpu.memref_slice %arg8[%dma_wait3A_472, %dma_wait3A_486, %dma_wait3A_487] : memref<4x128x32xf32, #tpu.memory_space<vmem>> -> memref<1x128x32xf32, #tpu.memory_space<vmem>>
        %dma_wait3A_489 = tpu.memref_squeeze %dma_wait3A_488 : memref<1x128x32xf32, #tpu.memory_space<vmem>> -> memref<128x32xf32, #tpu.memory_space<vmem>>
        tpu.wait_dma2 semaphore(%arg14 : memref<!tpu.dma_semaphore, #tpu.memory_space<semaphore_mem>>) src(%dma_wait3A_489 : memref<128x32xf32, #tpu.memory_space<vmem>>) dst(%dma_wait3A_485 : memref<128x32xf32, #tpu.memory_space<hbm>>)
        %dma_wait3A_490 = arith.constant 2 : i32
        %dma_wait3A_491 = arith.constant 0 : i32
        %dma_wait3A_492 = arith.constant 0 : i32
        %dma_wait3A_493 = arith.constant 0 : i32
        %dma_wait3A_494 = tpu.memref_slice %arg8[%dma_wait3A_490, %dma_wait3A_492, %dma_wait3A_493] : memref<4x128x32xf32, #tpu.memory_space<vmem>> -> memref<1x128x32xf32, #tpu.memory_space<vmem>>
        %dma_wait3A_495 = tpu.memref_squeeze %dma_wait3A_494 : memref<1x128x32xf32, #tpu.memory_space<vmem>> -> memref<128x32xf32, #tpu.memory_space<vmem>>
        %dma_wait3A_496 = arith.constant 0 : i32
        %dma_wait3A_497 = arith.constant 0 : i32
        %dma_wait3A_498 = tpu.memref_slice %arg4[%dma_wait3A_491, %dma_wait3A_496, %dma_wait3A_497] : memref<25600x128x32xf32, #tpu.memory_space<hbm>> -> memref<1x128x32xf32, #tpu.memory_space<hbm>>
        %dma_wait3A_499 = tpu.memref_squeeze %dma_wait3A_498 : memref<1x128x32xf32, #tpu.memory_space<hbm>> -> memref<128x32xf32, #tpu.memory_space<hbm>>
        %dma_wait3A_500 = arith.constant 0 : i32
        %dma_wait3A_501 = arith.constant 0 : i32
        %dma_wait3A_502 = tpu.memref_slice %arg4[%dma_wait3A_491, %dma_wait3A_500, %dma_wait3A_501] : memref<25600x128x32xf32, #tpu.memory_space<hbm>> -> memref<1x128x32xf32, #tpu.memory_space<hbm>>
        %dma_wait3A_503 = tpu.memref_squeeze %dma_wait3A_502 : memref<1x128x32xf32, #tpu.memory_space<hbm>> -> memref<128x32xf32, #tpu.memory_space<hbm>>
        %dma_wait3A_504 = arith.constant 0 : i32
        %dma_wait3A_505 = arith.constant 0 : i32
        %dma_wait3A_506 = tpu.memref_slice %arg8[%dma_wait3A_490, %dma_wait3A_504, %dma_wait3A_505] : memref<4x128x32xf32, #tpu.memory_space<vmem>> -> memref<1x128x32xf32, #tpu.memory_space<vmem>>
        %dma_wait3A_507 = tpu.memref_squeeze %dma_wait3A_506 : memref<1x128x32xf32, #tpu.memory_space<vmem>> -> memref<128x32xf32, #tpu.memory_space<vmem>>
        tpu.wait_dma2 semaphore(%arg14 : memref<!tpu.dma_semaphore, #tpu.memory_space<semaphore_mem>>) src(%dma_wait3A_507 : memref<128x32xf32, #tpu.memory_space<vmem>>) dst(%dma_wait3A_503 : memref<128x32xf32, #tpu.memory_space<hbm>>)
        %dma_wait3A_508 = arith.constant 3 : i32
        %dma_wait3A_509 = arith.constant 0 : i32
        %dma_wait3A_510 = arith.constant 0 : i32
        %dma_wait3A_511 = arith.constant 0 : i32
        %dma_wait3A_512 = tpu.memref_slice %arg8[%dma_wait3A_508, %dma_wait3A_510, %dma_wait3A_511] : memref<4x128x32xf32, #tpu.memory_space<vmem>> -> memref<1x128x32xf32, #tpu.memory_space<vmem>>
        %dma_wait3A_513 = tpu.memref_squeeze %dma_wait3A_512 : memref<1x128x32xf32, #tpu.memory_space<vmem>> -> memref<128x32xf32, #tpu.memory_space<vmem>>
        %dma_wait3A_514 = arith.constant 0 : i32
        %dma_wait3A_515 = arith.constant 0 : i32
        %dma_wait3A_516 = tpu.memref_slice %arg4[%dma_wait3A_509, %dma_wait3A_514, %dma_wait3A_515] : memref<25600x128x32xf32, #tpu.memory_space<hbm>> -> memref<1x128x32xf32, #tpu.memory_space<hbm>>
        %dma_wait3A_517 = tpu.memref_squeeze %dma_wait3A_516 : memref<1x128x32xf32, #tpu.memory_space<hbm>> -> memref<128x32xf32, #tpu.memory_space<hbm>>
        %dma_wait3A_518 = arith.constant 0 : i32
        %dma_wait3A_519 = arith.constant 0 : i32
        %dma_wait3A_520 = tpu.memref_slice %arg4[%dma_wait3A_509, %dma_wait3A_518, %dma_wait3A_519] : memref<25600x128x32xf32, #tpu.memory_space<hbm>> -> memref<1x128x32xf32, #tpu.memory_space<hbm>>
        %dma_wait3A_521 = tpu.memref_squeeze %dma_wait3A_520 : memref<1x128x32xf32, #tpu.memory_space<hbm>> -> memref<128x32xf32, #tpu.memory_space<hbm>>
        %dma_wait3A_522 = arith.constant 0 : i32
        %dma_wait3A_523 = arith.constant 0 : i32
        %dma_wait3A_524 = tpu.memref_slice %arg8[%dma_wait3A_508, %dma_wait3A_522, %dma_wait3A_523] : memref<4x128x32xf32, #tpu.memory_space<vmem>> -> memref<1x128x32xf32, #tpu.memory_space<vmem>>
        %dma_wait3A_525 = tpu.memref_squeeze %dma_wait3A_524 : memref<1x128x32xf32, #tpu.memory_space<vmem>> -> memref<128x32xf32, #tpu.memory_space<vmem>>
        tpu.wait_dma2 semaphore(%arg14 : memref<!tpu.dma_semaphore, #tpu.memory_space<semaphore_mem>>) src(%dma_wait3A_525 : memref<128x32xf32, #tpu.memory_space<vmem>>) dst(%dma_wait3A_521 : memref<128x32xf32, #tpu.memory_space<hbm>>)
      } else {
      }
      %dma_start3A_401 = arith.constant 0 : i32
      %dma_start3A_402 = arith.constant 0 : i32
      %dma_start3A_403 = arith.constant 0 : i32
      %dma_start3A_404 = arith.constant 0 : i32
      %dma_start3A_405 = tpu.memref_slice %arg8[%dma_start3A_402, %dma_start3A_403, %dma_start3A_404] : memref<4x128x32xf32, #tpu.memory_space<vmem>> -> memref<1x128x32xf32, #tpu.memory_space<vmem>>
      %dma_start3A_406 = tpu.memref_squeeze %dma_start3A_405 : memref<1x128x32xf32, #tpu.memory_space<vmem>> -> memref<128x32xf32, #tpu.memory_space<vmem>>
      %dma_start3A_407 = arith.constant 0 : i32
      %dma_start3A_408 = tpu.memref_slice %arg6[%dma_start3A_401, %dma_start3A_407] : memref<4x128xi32, #tpu.memory_space<vmem>> -> memref<1x128xi32, #tpu.memory_space<vmem>>
      %dma_start3A_409 = tpu.memref_squeeze %dma_start3A_408 : memref<1x128xi32, #tpu.memory_space<vmem>> -> memref<128xi32, #tpu.memory_space<vmem>>
      %dma_start3A_410 = arith.constant 0 : i32
      %dma_start3A_411 = arith.constant 0 : i32
      %dma_start3A_412 = tpu.memref_slice %arg3[%dma_start3A_410, %dma_start3A_411] : memref<1000000x32xf32, #tpu.memory_space<hbm>> -> memref<1000000x32xf32, #tpu.memory_space<hbm>>
      tpu.enqueue_indirect_dma source(%dma_start3A_412 : memref<1000000x32xf32, #tpu.memory_space<hbm>>) target(%dma_start3A_406 : memref<128x32xf32, #tpu.memory_space<vmem>>) offsets(%dma_start3A_409 : memref<128xi32, #tpu.memory_space<vmem>>) semaphore(%arg12 : memref<!tpu.dma_semaphore, #tpu.memory_space<semaphore_mem>>)
      %dma_start3A_413 = arith.constant 1 : i32
      %dma_start3A_414 = arith.constant 1 : i32
      %dma_start3A_415 = arith.constant 0 : i32
      %dma_start3A_416 = arith.constant 0 : i32
      %dma_start3A_417 = tpu.memref_slice %arg8[%dma_start3A_414, %dma_start3A_415, %dma_start3A_416] : memref<4x128x32xf32, #tpu.memory_space<vmem>> -> memref<1x128x32xf32, #tpu.memory_space<vmem>>
      %dma_start3A_418 = tpu.memref_squeeze %dma_start3A_417 : memref<1x128x32xf32, #tpu.memory_space<vmem>> -> memref<128x32xf32, #tpu.memory_space<vmem>>
      %dma_start3A_419 = arith.constant 0 : i32
      %dma_start3A_420 = tpu.memref_slice %arg6[%dma_start3A_413, %dma_start3A_419] : memref<4x128xi32, #tpu.memory_space<vmem>> -> memref<1x128xi32, #tpu.memory_space<vmem>>
      %dma_start3A_421 = tpu.memref_squeeze %dma_start3A_420 : memref<1x128xi32, #tpu.memory_space<vmem>> -> memref<128xi32, #tpu.memory_space<vmem>>
      %dma_start3A_422 = arith.constant 0 : i32
      %dma_start3A_423 = arith.constant 0 : i32
      %dma_start3A_424 = tpu.memref_slice %arg3[%dma_start3A_422, %dma_start3A_423] : memref<1000000x32xf32, #tpu.memory_space<hbm>> -> memref<1000000x32xf32, #tpu.memory_space<hbm>>
      tpu.enqueue_indirect_dma source(%dma_start3A_424 : memref<1000000x32xf32, #tpu.memory_space<hbm>>) target(%dma_start3A_418 : memref<128x32xf32, #tpu.memory_space<vmem>>) offsets(%dma_start3A_421 : memref<128xi32, #tpu.memory_space<vmem>>) semaphore(%arg12 : memref<!tpu.dma_semaphore, #tpu.memory_space<semaphore_mem>>)
      %dma_start3A_425 = arith.constant 2 : i32
      %dma_start3A_426 = arith.constant 2 : i32
      %dma_start3A_427 = arith.constant 0 : i32
      %dma_start3A_428 = arith.constant 0 : i32
      %dma_start3A_429 = tpu.memref_slice %arg8[%dma_start3A_426, %dma_start3A_427, %dma_start3A_428] : memref<4x128x32xf32, #tpu.memory_space<vmem>> -> memref<1x128x32xf32, #tpu.memory_space<vmem>>
      %dma_start3A_430 = tpu.memref_squeeze %dma_start3A_429 : memref<1x128x32xf32, #tpu.memory_space<vmem>> -> memref<128x32xf32, #tpu.memory_space<vmem>>
      %dma_start3A_431 = arith.constant 0 : i32
      %dma_start3A_432 = tpu.memref_slice %arg6[%dma_start3A_425, %dma_start3A_431] : memref<4x128xi32, #tpu.memory_space<vmem>> -> memref<1x128xi32, #tpu.memory_space<vmem>>
      %dma_start3A_433 = tpu.memref_squeeze %dma_start3A_432 : memref<1x128xi32, #tpu.memory_space<vmem>> -> memref<128xi32, #tpu.memory_space<vmem>>
      %dma_start3A_434 = arith.constant 0 : i32
      %dma_start3A_435 = arith.constant 0 : i32
      %dma_start3A_436 = tpu.memref_slice %arg3[%dma_start3A_434, %dma_start3A_435] : memref<1000000x32xf32, #tpu.memory_space<hbm>> -> memref<1000000x32xf32, #tpu.memory_space<hbm>>
      tpu.enqueue_indirect_dma source(%dma_start3A_436 : memref<1000000x32xf32, #tpu.memory_space<hbm>>) target(%dma_start3A_430 : memref<128x32xf32, #tpu.memory_space<vmem>>) offsets(%dma_start3A_433 : memref<128xi32, #tpu.memory_space<vmem>>) semaphore(%arg12 : memref<!tpu.dma_semaphore, #tpu.memory_space<semaphore_mem>>)
      %dma_start3A_437 = arith.constant 3 : i32
      %dma_start3A_438 = arith.constant 3 : i32
      %dma_start3A_439 = arith.constant 0 : i32
      %dma_start3A_440 = arith.constant 0 : i32
      %dma_start3A_441 = tpu.memref_slice %arg8[%dma_start3A_438, %dma_start3A_439, %dma_start3A_440] : memref<4x128x32xf32, #tpu.memory_space<vmem>> -> memref<1x128x32xf32, #tpu.memory_space<vmem>>
      %dma_start3A_442 = tpu.memref_squeeze %dma_start3A_441 : memref<1x128x32xf32, #tpu.memory_space<vmem>> -> memref<128x32xf32, #tpu.memory_space<vmem>>
      %dma_start3A_443 = arith.constant 0 : i32
      %dma_start3A_444 = tpu.memref_slice %arg6[%dma_start3A_437, %dma_start3A_443] : memref<4x128xi32, #tpu.memory_space<vmem>> -> memref<1x128xi32, #tpu.memory_space<vmem>>
      %dma_start3A_445 = tpu.memref_squeeze %dma_start3A_444 : memref<1x128xi32, #tpu.memory_space<vmem>> -> memref<128xi32, #tpu.memory_space<vmem>>
      %dma_start3A_446 = arith.constant 0 : i32
      %dma_start3A_447 = arith.constant 0 : i32
      %dma_start3A_448 = tpu.memref_slice %arg3[%dma_start3A_446, %dma_start3A_447] : memref<1000000x32xf32, #tpu.memory_space<hbm>> -> memref<1000000x32xf32, #tpu.memory_space<hbm>>
      tpu.enqueue_indirect_dma source(%dma_start3A_448 : memref<1000000x32xf32, #tpu.memory_space<hbm>>) target(%dma_start3A_442 : memref<128x32xf32, #tpu.memory_space<vmem>>) offsets(%dma_start3A_445 : memref<128xi32, #tpu.memory_space<vmem>>) semaphore(%arg12 : memref<!tpu.dma_semaphore, #tpu.memory_space<semaphore_mem>>)
      %gt3A_449 = arith.constant 0 : i32
      %gt3A_450 = arith.cmpi sgt, %add3A_387, %gt3A_449 : i32
      %convert_element_type3A_451 = arith.extui %gt3A_450 : i1 to i32
      %cond3A_452 = arith.constant 0 : i32
      %cond3A_453 = arith.cmpi ne, %convert_element_type3A_451, %cond3A_452 : i32
      scf.if %cond3A_453 {
        %dma_wait3A_454 = arith.constant 0 : i32
        %dma_wait3A_455 = arith.constant 0 : i32
        %dma_wait3A_456 = arith.constant 0 : i32
        %dma_wait3A_457 = tpu.memref_slice %arg7[%dma_wait3A_454, %dma_wait3A_455, %dma_wait3A_456] : memref<4x128x32xf32, #tpu.memory_space<vmem>> -> memref<1x128x32xf32, #tpu.memory_space<vmem>>
        %dma_wait3A_458 = tpu.memref_squeeze %dma_wait3A_457 : memref<1x128x32xf32, #tpu.memory_space<vmem>> -> memref<128x32xf32, #tpu.memory_space<vmem>>
        %dma_wait3A_459 = arith.constant 0 : i32
        %dma_wait3A_460 = arith.constant 0 : i32
        %dma_wait3A_461 = tpu.memref_slice %arg3[%dma_wait3A_459, %dma_wait3A_460] : memref<1000000x32xf32, #tpu.memory_space<hbm>> -> memref<128x32xf32, #tpu.memory_space<hbm>>
        %dma_wait3A_462 = arith.constant 0 : i32
        %dma_wait3A_463 = arith.constant 0 : i32
        %dma_wait3A_464 = tpu.memref_slice %arg7[%dma_wait3A_454, %dma_wait3A_462, %dma_wait3A_463] : memref<4x128x32xf32, #tpu.memory_space<vmem>> -> memref<1x128x32xf32, #tpu.memory_space<vmem>>
        %dma_wait3A_465 = tpu.memref_squeeze %dma_wait3A_464 : memref<1x128x32xf32, #tpu.memory_space<vmem>> -> memref<128x32xf32, #tpu.memory_space<vmem>>
        %dma_wait3A_466 = arith.constant 0 : i32
        %dma_wait3A_467 = arith.constant 0 : i32
        %dma_wait3A_468 = tpu.memref_slice %arg3[%dma_wait3A_466, %dma_wait3A_467] : memref<1000000x32xf32, #tpu.memory_space<hbm>> -> memref<128x32xf32, #tpu.memory_space<hbm>>
        tpu.wait_dma2 semaphore(%arg11 : memref<!tpu.dma_semaphore, #tpu.memory_space<semaphore_mem>>) src(%dma_wait3A_468 : memref<128x32xf32, #tpu.memory_space<hbm>>) dst(%dma_wait3A_465 : memref<128x32xf32, #tpu.memory_space<vmem>>)
        %dma_wait3A_469 = arith.constant 1 : i32
        %dma_wait3A_470 = arith.constant 0 : i32
        %dma_wait3A_471 = arith.constant 0 : i32
        %dma_wait3A_472 = tpu.memref_slice %arg7[%dma_wait3A_469, %dma_wait3A_470, %dma_wait3A_471] : memref<4x128x32xf32, #tpu.memory_space<vmem>> -> memref<1x128x32xf32, #tpu.memory_space<vmem>>
        %dma_wait3A_473 = tpu.memref_squeeze %dma_wait3A_472 : memref<1x128x32xf32, #tpu.memory_space<vmem>> -> memref<128x32xf32, #tpu.memory_space<vmem>>
        %dma_wait3A_474 = arith.constant 0 : i32
        %dma_wait3A_475 = arith.constant 0 : i32
        %dma_wait3A_476 = tpu.memref_slice %arg3[%dma_wait3A_474, %dma_wait3A_475] : memref<1000000x32xf32, #tpu.memory_space<hbm>> -> memref<128x32xf32, #tpu.memory_space<hbm>>
        %dma_wait3A_477 = arith.constant 0 : i32
        %dma_wait3A_478 = arith.constant 0 : i32
        %dma_wait3A_479 = tpu.memref_slice %arg7[%dma_wait3A_469, %dma_wait3A_477, %dma_wait3A_478] : memref<4x128x32xf32, #tpu.memory_space<vmem>> -> memref<1x128x32xf32, #tpu.memory_space<vmem>>
        %dma_wait3A_480 = tpu.memref_squeeze %dma_wait3A_479 : memref<1x128x32xf32, #tpu.memory_space<vmem>> -> memref<128x32xf32, #tpu.memory_space<vmem>>
        %dma_wait3A_481 = arith.constant 0 : i32
        %dma_wait3A_482 = arith.constant 0 : i32
        %dma_wait3A_483 = tpu.memref_slice %arg3[%dma_wait3A_481, %dma_wait3A_482] : memref<1000000x32xf32, #tpu.memory_space<hbm>> -> memref<128x32xf32, #tpu.memory_space<hbm>>
        tpu.wait_dma2 semaphore(%arg11 : memref<!tpu.dma_semaphore, #tpu.memory_space<semaphore_mem>>) src(%dma_wait3A_483 : memref<128x32xf32, #tpu.memory_space<hbm>>) dst(%dma_wait3A_480 : memref<128x32xf32, #tpu.memory_space<vmem>>)
        %dma_wait3A_484 = arith.constant 2 : i32
        %dma_wait3A_485 = arith.constant 0 : i32
        %dma_wait3A_486 = arith.constant 0 : i32
        %dma_wait3A_487 = tpu.memref_slice %arg7[%dma_wait3A_484, %dma_wait3A_485, %dma_wait3A_486] : memref<4x128x32xf32, #tpu.memory_space<vmem>> -> memref<1x128x32xf32, #tpu.memory_space<vmem>>
        %dma_wait3A_488 = tpu.memref_squeeze %dma_wait3A_487 : memref<1x128x32xf32, #tpu.memory_space<vmem>> -> memref<128x32xf32, #tpu.memory_space<vmem>>
        %dma_wait3A_489 = arith.constant 0 : i32
        %dma_wait3A_490 = arith.constant 0 : i32
        %dma_wait3A_491 = tpu.memref_slice %arg3[%dma_wait3A_489, %dma_wait3A_490] : memref<1000000x32xf32, #tpu.memory_space<hbm>> -> memref<128x32xf32, #tpu.memory_space<hbm>>
        %dma_wait3A_492 = arith.constant 0 : i32
        %dma_wait3A_493 = arith.constant 0 : i32
        %dma_wait3A_494 = tpu.memref_slice %arg7[%dma_wait3A_484, %dma_wait3A_492, %dma_wait3A_493] : memref<4x128x32xf32, #tpu.memory_space<vmem>> -> memref<1x128x32xf32, #tpu.memory_space<vmem>>
        %dma_wait3A_495 = tpu.memref_squeeze %dma_wait3A_494 : memref<1x128x32xf32, #tpu.memory_space<vmem>> -> memref<128x32xf32, #tpu.memory_space<vmem>>
        %dma_wait3A_496 = arith.constant 0 : i32
        %dma_wait3A_497 = arith.constant 0 : i32
        %dma_wait3A_498 = tpu.memref_slice %arg3[%dma_wait3A_496, %dma_wait3A_497] : memref<1000000x32xf32, #tpu.memory_space<hbm>> -> memref<128x32xf32, #tpu.memory_space<hbm>>
        tpu.wait_dma2 semaphore(%arg11 : memref<!tpu.dma_semaphore, #tpu.memory_space<semaphore_mem>>) src(%dma_wait3A_498 : memref<128x32xf32, #tpu.memory_space<hbm>>) dst(%dma_wait3A_495 : memref<128x32xf32, #tpu.memory_space<vmem>>)
        %dma_wait3A_499 = arith.constant 3 : i32
        %dma_wait3A_500 = arith.constant 0 : i32
        %dma_wait3A_501 = arith.constant 0 : i32
        %dma_wait3A_502 = tpu.memref_slice %arg7[%dma_wait3A_499, %dma_wait3A_500, %dma_wait3A_501] : memref<4x128x32xf32, #tpu.memory_space<vmem>> -> memref<1x128x32xf32, #tpu.memory_space<vmem>>
        %dma_wait3A_503 = tpu.memref_squeeze %dma_wait3A_502 : memref<1x128x32xf32, #tpu.memory_space<vmem>> -> memref<128x32xf32, #tpu.memory_space<vmem>>
        %dma_wait3A_504 = arith.constant 0 : i32
        %dma_wait3A_505 = arith.constant 0 : i32
        %dma_wait3A_506 = tpu.memref_slice %arg3[%dma_wait3A_504, %dma_wait3A_505] : memref<1000000x32xf32, #tpu.memory_space<hbm>> -> memref<128x32xf32, #tpu.memory_space<hbm>>
        %dma_wait3A_507 = arith.constant 0 : i32
        %dma_wait3A_508 = arith.constant 0 : i32
        %dma_wait3A_509 = tpu.memref_slice %arg7[%dma_wait3A_499, %dma_wait3A_507, %dma_wait3A_508] : memref<4x128x32xf32, #tpu.memory_space<vmem>> -> memref<1x128x32xf32, #tpu.memory_space<vmem>>
        %dma_wait3A_510 = tpu.memref_squeeze %dma_wait3A_509 : memref<1x128x32xf32, #tpu.memory_space<vmem>> -> memref<128x32xf32, #tpu.memory_space<vmem>>
        %dma_wait3A_511 = arith.constant 0 : i32
        %dma_wait3A_512 = arith.constant 0 : i32
        %dma_wait3A_513 = tpu.memref_slice %arg3[%dma_wait3A_511, %dma_wait3A_512] : memref<1000000x32xf32, #tpu.memory_space<hbm>> -> memref<128x32xf32, #tpu.memory_space<hbm>>
        tpu.wait_dma2 semaphore(%arg11 : memref<!tpu.dma_semaphore, #tpu.memory_space<semaphore_mem>>) src(%dma_wait3A_513 : memref<128x32xf32, #tpu.memory_space<hbm>>) dst(%dma_wait3A_510 : memref<128x32xf32, #tpu.memory_space<vmem>>)
        %add3A_514 = arith.constant 1 : i32
        %add3A_515 = arith.addi %add3A_387, %add3A_514 : i32
        %lt3A = arith.constant 200 : i32
        %lt3A_516 = arith.cmpi slt, %add3A_515, %lt3A : i32
        %convert_element_type3A_517 = arith.extui %lt3A_516 : i1 to i32
        %cond3A_518 = arith.constant 0 : i32
        %cond3A_519 = arith.cmpi ne, %convert_element_type3A_517, %cond3A_518 : i32
        scf.if %cond3A_519 {
          %add3A_617 = arith.constant 1 : i32
          %add3A_618 = arith.addi %add3A_387, %add3A_617 : i32
          %mul3A_619 = arith.constant 128 : i32
          %mul3A_620 = arith.muli %add3A_618, %mul3A_619 : i32
          %mul3A_621 = arith.constant 4 : i32
          %mul3A_622 = arith.muli %add3A, %mul3A_621 : i32
          %add3A_623 = arith.addi %mul3A_620, %mul3A_622 : i32
          %dma_start3A_624 = arith.constant 0 : i32
          %dma_start3A_625 = tpu.memref_slice %arg2[%add3A_623, %dma_start3A_624] : memref<25600x128xi32, #tpu.memory_space<hbm>> -> memref<4x128xi32, #tpu.memory_space<hbm>>
          %dma_start3A_626 = arith.constant 0 : i32
          %dma_start3A_627 = tpu.memref_slice %arg2[%add3A_623, %dma_start3A_626] : memref<25600x128xi32, #tpu.memory_space<hbm>> -> memref<4x128xi32, #tpu.memory_space<hbm>>
          tpu.enqueue_dma source(%dma_start3A_627 : memref<4x128xi32, #tpu.memory_space<hbm>>) target(%arg5 : memref<4x128xi32, #tpu.memory_space<vmem>>) target_semaphore(%arg9 : memref<!tpu.dma_semaphore, #tpu.memory_space<semaphore_mem>>)
        } else {
        }
        %sub3A = arith.constant 1 : i32
        %sub3A_520 = arith.subi %add3A_387, %sub3A : i32
        %mul3A_521 = arith.constant 128 : i32
        %mul3A_522 = arith.muli %sub3A_520, %mul3A_521 : i32
        %mul3A_523 = arith.constant 4 : i32
        %mul3A_524 = arith.muli %add3A, %mul3A_523 : i32
        %add3A_525 = arith.addi %mul3A_522, %mul3A_524 : i32
        %add3A_526 = arith.constant 0 : i32
        %add3A_527 = arith.addi %add3A_525, %add3A_526 : i32
        %dma_start3A_528 = arith.constant 0 : i32
        %dma_start3A_529 = arith.constant 0 : i32
        %dma_start3A_530 = arith.constant 0 : i32
        %dma_start3A_531 = tpu.memref_slice %arg7[%dma_start3A_528, %dma_start3A_529, %dma_start3A_530] : memref<4x128x32xf32, #tpu.memory_space<vmem>> -> memref<1x128x32xf32, #tpu.memory_space<vmem>>
        %dma_start3A_532 = tpu.memref_squeeze %dma_start3A_531 : memref<1x128x32xf32, #tpu.memory_space<vmem>> -> memref<128x32xf32, #tpu.memory_space<vmem>>
        %dma_start3A_533 = arith.constant 0 : i32
        %dma_start3A_534 = arith.constant 0 : i32
        %dma_start3A_535 = tpu.memref_slice %arg4[%add3A_527, %dma_start3A_533, %dma_start3A_534] : memref<25600x128x32xf32, #tpu.memory_space<hbm>> -> memref<1x128x32xf32, #tpu.memory_space<hbm>>
        %dma_start3A_536 = tpu.memref_squeeze %dma_start3A_535 : memref<1x128x32xf32, #tpu.memory_space<hbm>> -> memref<128x32xf32, #tpu.memory_space<hbm>>
        %dma_start3A_537 = arith.constant 0 : i32
        %dma_start3A_538 = arith.constant 0 : i32
        %dma_start3A_539 = tpu.memref_slice %arg4[%add3A_527, %dma_start3A_537, %dma_start3A_538] : memref<25600x128x32xf32, #tpu.memory_space<hbm>> -> memref<1x128x32xf32, #tpu.memory_space<hbm>>
        %dma_start3A_540 = tpu.memref_squeeze %dma_start3A_539 : memref<1x128x32xf32, #tpu.memory_space<hbm>> -> memref<128x32xf32, #tpu.memory_space<hbm>>
        %dma_start3A_541 = arith.constant 0 : i32
        %dma_start3A_542 = arith.constant 0 : i32
        %dma_start3A_543 = tpu.memref_slice %arg7[%dma_start3A_528, %dma_start3A_541, %dma_start3A_542] : memref<4x128x32xf32, #tpu.memory_space<vmem>> -> memref<1x128x32xf32, #tpu.memory_space<vmem>>
        %dma_start3A_544 = tpu.memref_squeeze %dma_start3A_543 : memref<1x128x32xf32, #tpu.memory_space<vmem>> -> memref<128x32xf32, #tpu.memory_space<vmem>>
        tpu.enqueue_dma source(%dma_start3A_544 : memref<128x32xf32, #tpu.memory_space<vmem>>) target(%dma_start3A_540 : memref<128x32xf32, #tpu.memory_space<hbm>>) target_semaphore(%arg13 : memref<!tpu.dma_semaphore, #tpu.memory_space<semaphore_mem>>)
        %mul3A_545 = arith.constant 128 : i32
        %mul3A_546 = arith.muli %sub3A_520, %mul3A_545 : i32
        %mul3A_547 = arith.constant 4 : i32
        %mul3A_548 = arith.muli %add3A, %mul3A_547 : i32
        %add3A_549 = arith.addi %mul3A_546, %mul3A_548 : i32
        %add3A_550 = arith.constant 1 : i32
        %add3A_551 = arith.addi %add3A_549, %add3A_550 : i32
        %dma_start3A_552 = arith.constant 1 : i32
        %dma_start3A_553 = arith.constant 0 : i32
        %dma_start3A_554 = arith.constant 0 : i32
        %dma_start3A_555 = tpu.memref_slice %arg7[%dma_start3A_552, %dma_start3A_553, %dma_start3A_554] : memref<4x128x32xf32, #tpu.memory_space<vmem>> -> memref<1x128x32xf32, #tpu.memory_space<vmem>>
        %dma_start3A_556 = tpu.memref_squeeze %dma_start3A_555 : memref<1x128x32xf32, #tpu.memory_space<vmem>> -> memref<128x32xf32, #tpu.memory_space<vmem>>
        %dma_start3A_557 = arith.constant 0 : i32
        %dma_start3A_558 = arith.constant 0 : i32
        %dma_start3A_559 = tpu.memref_slice %arg4[%add3A_551, %dma_start3A_557, %dma_start3A_558] : memref<25600x128x32xf32, #tpu.memory_space<hbm>> -> memref<1x128x32xf32, #tpu.memory_space<hbm>>
        %dma_start3A_560 = tpu.memref_squeeze %dma_start3A_559 : memref<1x128x32xf32, #tpu.memory_space<hbm>> -> memref<128x32xf32, #tpu.memory_space<hbm>>
        %dma_start3A_561 = arith.constant 0 : i32
        %dma_start3A_562 = arith.constant 0 : i32
        %dma_start3A_563 = tpu.memref_slice %arg4[%add3A_551, %dma_start3A_561, %dma_start3A_562] : memref<25600x128x32xf32, #tpu.memory_space<hbm>> -> memref<1x128x32xf32, #tpu.memory_space<hbm>>
        %dma_start3A_564 = tpu.memref_squeeze %dma_start3A_563 : memref<1x128x32xf32, #tpu.memory_space<hbm>> -> memref<128x32xf32, #tpu.memory_space<hbm>>
        %dma_start3A_565 = arith.constant 0 : i32
        %dma_start3A_566 = arith.constant 0 : i32
        %dma_start3A_567 = tpu.memref_slice %arg7[%dma_start3A_552, %dma_start3A_565, %dma_start3A_566] : memref<4x128x32xf32, #tpu.memory_space<vmem>> -> memref<1x128x32xf32, #tpu.memory_space<vmem>>
        %dma_start3A_568 = tpu.memref_squeeze %dma_start3A_567 : memref<1x128x32xf32, #tpu.memory_space<vmem>> -> memref<128x32xf32, #tpu.memory_space<vmem>>
        tpu.enqueue_dma source(%dma_start3A_568 : memref<128x32xf32, #tpu.memory_space<vmem>>) target(%dma_start3A_564 : memref<128x32xf32, #tpu.memory_space<hbm>>) target_semaphore(%arg13 : memref<!tpu.dma_semaphore, #tpu.memory_space<semaphore_mem>>)
        %mul3A_569 = arith.constant 128 : i32
        %mul3A_570 = arith.muli %sub3A_520, %mul3A_569 : i32
        %mul3A_571 = arith.constant 4 : i32
        %mul3A_572 = arith.muli %add3A, %mul3A_571 : i32
        %add3A_573 = arith.addi %mul3A_570, %mul3A_572 : i32
        %add3A_574 = arith.constant 2 : i32
        %add3A_575 = arith.addi %add3A_573, %add3A_574 : i32
        %dma_start3A_576 = arith.constant 2 : i32
        %dma_start3A_577 = arith.constant 0 : i32
        %dma_start3A_578 = arith.constant 0 : i32
        %dma_start3A_579 = tpu.memref_slice %arg7[%dma_start3A_576, %dma_start3A_577, %dma_start3A_578] : memref<4x128x32xf32, #tpu.memory_space<vmem>> -> memref<1x128x32xf32, #tpu.memory_space<vmem>>
        %dma_start3A_580 = tpu.memref_squeeze %dma_start3A_579 : memref<1x128x32xf32, #tpu.memory_space<vmem>> -> memref<128x32xf32, #tpu.memory_space<vmem>>
        %dma_start3A_581 = arith.constant 0 : i32
        %dma_start3A_582 = arith.constant 0 : i32
        %dma_start3A_583 = tpu.memref_slice %arg4[%add3A_575, %dma_start3A_581, %dma_start3A_582] : memref<25600x128x32xf32, #tpu.memory_space<hbm>> -> memref<1x128x32xf32, #tpu.memory_space<hbm>>
        %dma_start3A_584 = tpu.memref_squeeze %dma_start3A_583 : memref<1x128x32xf32, #tpu.memory_space<hbm>> -> memref<128x32xf32, #tpu.memory_space<hbm>>
        %dma_start3A_585 = arith.constant 0 : i32
        %dma_start3A_586 = arith.constant 0 : i32
        %dma_start3A_587 = tpu.memref_slice %arg4[%add3A_575, %dma_start3A_585, %dma_start3A_586] : memref<25600x128x32xf32, #tpu.memory_space<hbm>> -> memref<1x128x32xf32, #tpu.memory_space<hbm>>
        %dma_start3A_588 = tpu.memref_squeeze %dma_start3A_587 : memref<1x128x32xf32, #tpu.memory_space<hbm>> -> memref<128x32xf32, #tpu.memory_space<hbm>>
        %dma_start3A_589 = arith.constant 0 : i32
        %dma_start3A_590 = arith.constant 0 : i32
        %dma_start3A_591 = tpu.memref_slice %arg7[%dma_start3A_576, %dma_start3A_589, %dma_start3A_590] : memref<4x128x32xf32, #tpu.memory_space<vmem>> -> memref<1x128x32xf32, #tpu.memory_space<vmem>>
        %dma_start3A_592 = tpu.memref_squeeze %dma_start3A_591 : memref<1x128x32xf32, #tpu.memory_space<vmem>> -> memref<128x32xf32, #tpu.memory_space<vmem>>
        tpu.enqueue_dma source(%dma_start3A_592 : memref<128x32xf32, #tpu.memory_space<vmem>>) target(%dma_start3A_588 : memref<128x32xf32, #tpu.memory_space<hbm>>) target_semaphore(%arg13 : memref<!tpu.dma_semaphore, #tpu.memory_space<semaphore_mem>>)
        %mul3A_593 = arith.constant 128 : i32
        %mul3A_594 = arith.muli %sub3A_520, %mul3A_593 : i32
        %mul3A_595 = arith.constant 4 : i32
        %mul3A_596 = arith.muli %add3A, %mul3A_595 : i32
        %add3A_597 = arith.addi %mul3A_594, %mul3A_596 : i32
        %add3A_598 = arith.constant 3 : i32
        %add3A_599 = arith.addi %add3A_597, %add3A_598 : i32
        %dma_start3A_600 = arith.constant 3 : i32
        %dma_start3A_601 = arith.constant 0 : i32
        %dma_start3A_602 = arith.constant 0 : i32
        %dma_start3A_603 = tpu.memref_slice %arg7[%dma_start3A_600, %dma_start3A_601, %dma_start3A_602] : memref<4x128x32xf32, #tpu.memory_space<vmem>> -> memref<1x128x32xf32, #tpu.memory_space<vmem>>
        %dma_start3A_604 = tpu.memref_squeeze %dma_start3A_603 : memref<1x128x32xf32, #tpu.memory_space<vmem>> -> memref<128x32xf32, #tpu.memory_space<vmem>>
        %dma_start3A_605 = arith.constant 0 : i32
        %dma_start3A_606 = arith.constant 0 : i32
        %dma_start3A_607 = tpu.memref_slice %arg4[%add3A_599, %dma_start3A_605, %dma_start3A_606] : memref<25600x128x32xf32, #tpu.memory_space<hbm>> -> memref<1x128x32xf32, #tpu.memory_space<hbm>>
        %dma_start3A_608 = tpu.memref_squeeze %dma_start3A_607 : memref<1x128x32xf32, #tpu.memory_space<hbm>> -> memref<128x32xf32, #tpu.memory_space<hbm>>
        %dma_start3A_609 = arith.constant 0 : i32
        %dma_start3A_610 = arith.constant 0 : i32
        %dma_start3A_611 = tpu.memref_slice %arg4[%add3A_599, %dma_start3A_609, %dma_start3A_610] : memref<25600x128x32xf32, #tpu.memory_space<hbm>> -> memref<1x128x32xf32, #tpu.memory_space<hbm>>
        %dma_start3A_612 = tpu.memref_squeeze %dma_start3A_611 : memref<1x128x32xf32, #tpu.memory_space<hbm>> -> memref<128x32xf32, #tpu.memory_space<hbm>>
        %dma_start3A_613 = arith.constant 0 : i32
        %dma_start3A_614 = arith.constant 0 : i32
        %dma_start3A_615 = tpu.memref_slice %arg7[%dma_start3A_600, %dma_start3A_613, %dma_start3A_614] : memref<4x128x32xf32, #tpu.memory_space<vmem>> -> memref<1x128x32xf32, #tpu.memory_space<vmem>>
        %dma_start3A_616 = tpu.memref_squeeze %dma_start3A_615 : memref<1x128x32xf32, #tpu.memory_space<vmem>> -> memref<128x32xf32, #tpu.memory_space<vmem>>
        tpu.enqueue_dma source(%dma_start3A_616 : memref<128x32xf32, #tpu.memory_space<vmem>>) target(%dma_start3A_612 : memref<128x32xf32, #tpu.memory_space<hbm>>) target_semaphore(%arg13 : memref<!tpu.dma_semaphore, #tpu.memory_space<semaphore_mem>>)
      } else {
      }
    }
    %scan3A_20 = arith.constant 100 : i32
    %dma_wait3A = arith.constant 0 : i32
    %dma_wait3A_21 = arith.constant 0 : i32
    %dma_wait3A_22 = arith.constant 0 : i32
    %dma_wait3A_23 = tpu.memref_slice %arg8[%dma_wait3A, %dma_wait3A_21, %dma_wait3A_22] : memref<4x128x32xf32, #tpu.memory_space<vmem>> -> memref<1x128x32xf32, #tpu.memory_space<vmem>>
    %dma_wait3A_24 = tpu.memref_squeeze %dma_wait3A_23 : memref<1x128x32xf32, #tpu.memory_space<vmem>> -> memref<128x32xf32, #tpu.memory_space<vmem>>
    %dma_wait3A_25 = arith.constant 0 : i32
    %dma_wait3A_26 = arith.constant 0 : i32
    %dma_wait3A_27 = tpu.memref_slice %arg3[%dma_wait3A_25, %dma_wait3A_26] : memref<1000000x32xf32, #tpu.memory_space<hbm>> -> memref<128x32xf32, #tpu.memory_space<hbm>>
    %dma_wait3A_28 = arith.constant 0 : i32
    %dma_wait3A_29 = arith.constant 0 : i32
    %dma_wait3A_30 = tpu.memref_slice %arg8[%dma_wait3A, %dma_wait3A_28, %dma_wait3A_29] : memref<4x128x32xf32, #tpu.memory_space<vmem>> -> memref<1x128x32xf32, #tpu.memory_space<vmem>>
    %dma_wait3A_31 = tpu.memref_squeeze %dma_wait3A_30 : memref<1x128x32xf32, #tpu.memory_space<vmem>> -> memref<128x32xf32, #tpu.memory_space<vmem>>
    %dma_wait3A_32 = arith.constant 0 : i32
    %dma_wait3A_33 = arith.constant 0 : i32
    %dma_wait3A_34 = tpu.memref_slice %arg3[%dma_wait3A_32, %dma_wait3A_33] : memref<1000000x32xf32, #tpu.memory_space<hbm>> -> memref<128x32xf32, #tpu.memory_space<hbm>>
    tpu.wait_dma2 semaphore(%arg12 : memref<!tpu.dma_semaphore, #tpu.memory_space<semaphore_mem>>) src(%dma_wait3A_34 : memref<128x32xf32, #tpu.memory_space<hbm>>) dst(%dma_wait3A_31 : memref<128x32xf32, #tpu.memory_space<vmem>>)
    %dma_wait3A_35 = arith.constant 1 : i32
    %dma_wait3A_36 = arith.constant 0 : i32
    %dma_wait3A_37 = arith.constant 0 : i32
    %dma_wait3A_38 = tpu.memref_slice %arg8[%dma_wait3A_35, %dma_wait3A_36, %dma_wait3A_37] : memref<4x128x32xf32, #tpu.memory_space<vmem>> -> memref<1x128x32xf32, #tpu.memory_space<vmem>>
    %dma_wait3A_39 = tpu.memref_squeeze %dma_wait3A_38 : memref<1x128x32xf32, #tpu.memory_space<vmem>> -> memref<128x32xf32, #tpu.memory_space<vmem>>
    %dma_wait3A_40 = arith.constant 0 : i32
    %dma_wait3A_41 = arith.constant 0 : i32
    %dma_wait3A_42 = tpu.memref_slice %arg3[%dma_wait3A_40, %dma_wait3A_41] : memref<1000000x32xf32, #tpu.memory_space<hbm>> -> memref<128x32xf32, #tpu.memory_space<hbm>>
    %dma_wait3A_43 = arith.constant 0 : i32
    %dma_wait3A_44 = arith.constant 0 : i32
    %dma_wait3A_45 = tpu.memref_slice %arg8[%dma_wait3A_35, %dma_wait3A_43, %dma_wait3A_44] : memref<4x128x32xf32, #tpu.memory_space<vmem>> -> memref<1x128x32xf32, #tpu.memory_space<vmem>>
    %dma_wait3A_46 = tpu.memref_squeeze %dma_wait3A_45 : memref<1x128x32xf32, #tpu.memory_space<vmem>> -> memref<128x32xf32, #tpu.memory_space<vmem>>
    %dma_wait3A_47 = arith.constant 0 : i32
    %dma_wait3A_48 = arith.constant 0 : i32
    %dma_wait3A_49 = tpu.memref_slice %arg3[%dma_wait3A_47, %dma_wait3A_48] : memref<1000000x32xf32, #tpu.memory_space<hbm>> -> memref<128x32xf32, #tpu.memory_space<hbm>>
    tpu.wait_dma2 semaphore(%arg12 : memref<!tpu.dma_semaphore, #tpu.memory_space<semaphore_mem>>) src(%dma_wait3A_49 : memref<128x32xf32, #tpu.memory_space<hbm>>) dst(%dma_wait3A_46 : memref<128x32xf32, #tpu.memory_space<vmem>>)
    %dma_wait3A_50 = arith.constant 2 : i32
    %dma_wait3A_51 = arith.constant 0 : i32
    %dma_wait3A_52 = arith.constant 0 : i32
    %dma_wait3A_53 = tpu.memref_slice %arg8[%dma_wait3A_50, %dma_wait3A_51, %dma_wait3A_52] : memref<4x128x32xf32, #tpu.memory_space<vmem>> -> memref<1x128x32xf32, #tpu.memory_space<vmem>>
    %dma_wait3A_54 = tpu.memref_squeeze %dma_wait3A_53 : memref<1x128x32xf32, #tpu.memory_space<vmem>> -> memref<128x32xf32, #tpu.memory_space<vmem>>
    %dma_wait3A_55 = arith.constant 0 : i32
    %dma_wait3A_56 = arith.constant 0 : i32
    %dma_wait3A_57 = tpu.memref_slice %arg3[%dma_wait3A_55, %dma_wait3A_56] : memref<1000000x32xf32, #tpu.memory_space<hbm>> -> memref<128x32xf32, #tpu.memory_space<hbm>>
    %dma_wait3A_58 = arith.constant 0 : i32
    %dma_wait3A_59 = arith.constant 0 : i32
    %dma_wait3A_60 = tpu.memref_slice %arg8[%dma_wait3A_50, %dma_wait3A_58, %dma_wait3A_59] : memref<4x128x32xf32, #tpu.memory_space<vmem>> -> memref<1x128x32xf32, #tpu.memory_space<vmem>>
    %dma_wait3A_61 = tpu.memref_squeeze %dma_wait3A_60 : memref<1x128x32xf32, #tpu.memory_space<vmem>> -> memref<128x32xf32, #tpu.memory_space<vmem>>
    %dma_wait3A_62 = arith.constant 0 : i32
    %dma_wait3A_63 = arith.constant 0 : i32
    %dma_wait3A_64 = tpu.memref_slice %arg3[%dma_wait3A_62, %dma_wait3A_63] : memref<1000000x32xf32, #tpu.memory_space<hbm>> -> memref<128x32xf32, #tpu.memory_space<hbm>>
    tpu.wait_dma2 semaphore(%arg12 : memref<!tpu.dma_semaphore, #tpu.memory_space<semaphore_mem>>) src(%dma_wait3A_64 : memref<128x32xf32, #tpu.memory_space<hbm>>) dst(%dma_wait3A_61 : memref<128x32xf32, #tpu.memory_space<vmem>>)
    %dma_wait3A_65 = arith.constant 3 : i32
    %dma_wait3A_66 = arith.constant 0 : i32
    %dma_wait3A_67 = arith.constant 0 : i32
    %dma_wait3A_68 = tpu.memref_slice %arg8[%dma_wait3A_65, %dma_wait3A_66, %dma_wait3A_67] : memref<4x128x32xf32, #tpu.memory_space<vmem>> -> memref<1x128x32xf32, #tpu.memory_space<vmem>>
    %dma_wait3A_69 = tpu.memref_squeeze %dma_wait3A_68 : memref<1x128x32xf32, #tpu.memory_space<vmem>> -> memref<128x32xf32, #tpu.memory_space<vmem>>
    %dma_wait3A_70 = arith.constant 0 : i32
    %dma_wait3A_71 = arith.constant 0 : i32
    %dma_wait3A_72 = tpu.memref_slice %arg3[%dma_wait3A_70, %dma_wait3A_71] : memref<1000000x32xf32, #tpu.memory_space<hbm>> -> memref<128x32xf32, #tpu.memory_space<hbm>>
    %dma_wait3A_73 = arith.constant 0 : i32
    %dma_wait3A_74 = arith.constant 0 : i32
    %dma_wait3A_75 = tpu.memref_slice %arg8[%dma_wait3A_65, %dma_wait3A_73, %dma_wait3A_74] : memref<4x128x32xf32, #tpu.memory_space<vmem>> -> memref<1x128x32xf32, #tpu.memory_space<vmem>>
    %dma_wait3A_76 = tpu.memref_squeeze %dma_wait3A_75 : memref<1x128x32xf32, #tpu.memory_space<vmem>> -> memref<128x32xf32, #tpu.memory_space<vmem>>
    %dma_wait3A_77 = arith.constant 0 : i32
    %dma_wait3A_78 = arith.constant 0 : i32
    %dma_wait3A_79 = tpu.memref_slice %arg3[%dma_wait3A_77, %dma_wait3A_78] : memref<1000000x32xf32, #tpu.memory_space<hbm>> -> memref<128x32xf32, #tpu.memory_space<hbm>>
    tpu.wait_dma2 semaphore(%arg12 : memref<!tpu.dma_semaphore, #tpu.memory_space<semaphore_mem>>) src(%dma_wait3A_79 : memref<128x32xf32, #tpu.memory_space<hbm>>) dst(%dma_wait3A_76 : memref<128x32xf32, #tpu.memory_space<vmem>>)
    %mul3A_80 = arith.constant 4 : i32
    %mul3A_81 = arith.muli %add3A, %mul3A_80 : i32
    %add3A_82 = arith.constant 25472 : i32
    %add3A_83 = arith.addi %add3A_82, %mul3A_81 : i32
    %add3A_84 = arith.constant 0 : i32
    %add3A_85 = arith.addi %add3A_83, %add3A_84 : i32
    %dma_start3A_86 = arith.constant 0 : i32
    %dma_start3A_87 = arith.constant 0 : i32
    %dma_start3A_88 = arith.constant 0 : i32
    %dma_start3A_89 = tpu.memref_slice %arg8[%dma_start3A_86, %dma_start3A_87, %dma_start3A_88] : memref<4x128x32xf32, #tpu.memory_space<vmem>> -> memref<1x128x32xf32, #tpu.memory_space<vmem>>
    %dma_start3A_90 = tpu.memref_squeeze %dma_start3A_89 : memref<1x128x32xf32, #tpu.memory_space<vmem>> -> memref<128x32xf32, #tpu.memory_space<vmem>>
    %dma_start3A_91 = arith.constant 0 : i32
    %dma_start3A_92 = arith.constant 0 : i32
    %dma_start3A_93 = tpu.memref_slice %arg4[%add3A_85, %dma_start3A_91, %dma_start3A_92] : memref<25600x128x32xf32, #tpu.memory_space<hbm>> -> memref<1x128x32xf32, #tpu.memory_space<hbm>>
    %dma_start3A_94 = tpu.memref_squeeze %dma_start3A_93 : memref<1x128x32xf32, #tpu.memory_space<hbm>> -> memref<128x32xf32, #tpu.memory_space<hbm>>
    %dma_start3A_95 = arith.constant 0 : i32
    %dma_start3A_96 = arith.constant 0 : i32
    %dma_start3A_97 = tpu.memref_slice %arg4[%add3A_85, %dma_start3A_95, %dma_start3A_96] : memref<25600x128x32xf32, #tpu.memory_space<hbm>> -> memref<1x128x32xf32, #tpu.memory_space<hbm>>
    %dma_start3A_98 = tpu.memref_squeeze %dma_start3A_97 : memref<1x128x32xf32, #tpu.memory_space<hbm>> -> memref<128x32xf32, #tpu.memory_space<hbm>>
    %dma_start3A_99 = arith.constant 0 : i32
    %dma_start3A_100 = arith.constant 0 : i32
    %dma_start3A_101 = tpu.memref_slice %arg8[%dma_start3A_86, %dma_start3A_99, %dma_start3A_100] : memref<4x128x32xf32, #tpu.memory_space<vmem>> -> memref<1x128x32xf32, #tpu.memory_space<vmem>>
    %dma_start3A_102 = tpu.memref_squeeze %dma_start3A_101 : memref<1x128x32xf32, #tpu.memory_space<vmem>> -> memref<128x32xf32, #tpu.memory_space<vmem>>
    tpu.enqueue_dma source(%dma_start3A_102 : memref<128x32xf32, #tpu.memory_space<vmem>>) target(%dma_start3A_98 : memref<128x32xf32, #tpu.memory_space<hbm>>) target_semaphore(%arg14 : memref<!tpu.dma_semaphore, #tpu.memory_space<semaphore_mem>>)
    %mul3A_103 = arith.constant 4 : i32
    %mul3A_104 = arith.muli %add3A, %mul3A_103 : i32
    %add3A_105 = arith.constant 25472 : i32
    %add3A_106 = arith.addi %add3A_105, %mul3A_104 : i32
    %add3A_107 = arith.constant 1 : i32
    %add3A_108 = arith.addi %add3A_106, %add3A_107 : i32
    %dma_start3A_109 = arith.constant 1 : i32
    %dma_start3A_110 = arith.constant 0 : i32
    %dma_start3A_111 = arith.constant 0 : i32
    %dma_start3A_112 = tpu.memref_slice %arg8[%dma_start3A_109, %dma_start3A_110, %dma_start3A_111] : memref<4x128x32xf32, #tpu.memory_space<vmem>> -> memref<1x128x32xf32, #tpu.memory_space<vmem>>
    %dma_start3A_113 = tpu.memref_squeeze %dma_start3A_112 : memref<1x128x32xf32, #tpu.memory_space<vmem>> -> memref<128x32xf32, #tpu.memory_space<vmem>>
    %dma_start3A_114 = arith.constant 0 : i32
    %dma_start3A_115 = arith.constant 0 : i32
    %dma_start3A_116 = tpu.memref_slice %arg4[%add3A_108, %dma_start3A_114, %dma_start3A_115] : memref<25600x128x32xf32, #tpu.memory_space<hbm>> -> memref<1x128x32xf32, #tpu.memory_space<hbm>>
    %dma_start3A_117 = tpu.memref_squeeze %dma_start3A_116 : memref<1x128x32xf32, #tpu.memory_space<hbm>> -> memref<128x32xf32, #tpu.memory_space<hbm>>
    %dma_start3A_118 = arith.constant 0 : i32
    %dma_start3A_119 = arith.constant 0 : i32
    %dma_start3A_120 = tpu.memref_slice %arg4[%add3A_108, %dma_start3A_118, %dma_start3A_119] : memref<25600x128x32xf32, #tpu.memory_space<hbm>> -> memref<1x128x32xf32, #tpu.memory_space<hbm>>
    %dma_start3A_121 = tpu.memref_squeeze %dma_start3A_120 : memref<1x128x32xf32, #tpu.memory_space<hbm>> -> memref<128x32xf32, #tpu.memory_space<hbm>>
    %dma_start3A_122 = arith.constant 0 : i32
    %dma_start3A_123 = arith.constant 0 : i32
    %dma_start3A_124 = tpu.memref_slice %arg8[%dma_start3A_109, %dma_start3A_122, %dma_start3A_123] : memref<4x128x32xf32, #tpu.memory_space<vmem>> -> memref<1x128x32xf32, #tpu.memory_space<vmem>>
    %dma_start3A_125 = tpu.memref_squeeze %dma_start3A_124 : memref<1x128x32xf32, #tpu.memory_space<vmem>> -> memref<128x32xf32, #tpu.memory_space<vmem>>
    tpu.enqueue_dma source(%dma_start3A_125 : memref<128x32xf32, #tpu.memory_space<vmem>>) target(%dma_start3A_121 : memref<128x32xf32, #tpu.memory_space<hbm>>) target_semaphore(%arg14 : memref<!tpu.dma_semaphore, #tpu.memory_space<semaphore_mem>>)
    %mul3A_126 = arith.constant 4 : i32
    %mul3A_127 = arith.muli %add3A, %mul3A_126 : i32
    %add3A_128 = arith.constant 25472 : i32
    %add3A_129 = arith.addi %add3A_128, %mul3A_127 : i32
    %add3A_130 = arith.constant 2 : i32
    %add3A_131 = arith.addi %add3A_129, %add3A_130 : i32
    %dma_start3A_132 = arith.constant 2 : i32
    %dma_start3A_133 = arith.constant 0 : i32
    %dma_start3A_134 = arith.constant 0 : i32
    %dma_start3A_135 = tpu.memref_slice %arg8[%dma_start3A_132, %dma_start3A_133, %dma_start3A_134] : memref<4x128x32xf32, #tpu.memory_space<vmem>> -> memref<1x128x32xf32, #tpu.memory_space<vmem>>
    %dma_start3A_136 = tpu.memref_squeeze %dma_start3A_135 : memref<1x128x32xf32, #tpu.memory_space<vmem>> -> memref<128x32xf32, #tpu.memory_space<vmem>>
    %dma_start3A_137 = arith.constant 0 : i32
    %dma_start3A_138 = arith.constant 0 : i32
    %dma_start3A_139 = tpu.memref_slice %arg4[%add3A_131, %dma_start3A_137, %dma_start3A_138] : memref<25600x128x32xf32, #tpu.memory_space<hbm>> -> memref<1x128x32xf32, #tpu.memory_space<hbm>>
    %dma_start3A_140 = tpu.memref_squeeze %dma_start3A_139 : memref<1x128x32xf32, #tpu.memory_space<hbm>> -> memref<128x32xf32, #tpu.memory_space<hbm>>
    %dma_start3A_141 = arith.constant 0 : i32
    %dma_start3A_142 = arith.constant 0 : i32
    %dma_start3A_143 = tpu.memref_slice %arg4[%add3A_131, %dma_start3A_141, %dma_start3A_142] : memref<25600x128x32xf32, #tpu.memory_space<hbm>> -> memref<1x128x32xf32, #tpu.memory_space<hbm>>
    %dma_start3A_144 = tpu.memref_squeeze %dma_start3A_143 : memref<1x128x32xf32, #tpu.memory_space<hbm>> -> memref<128x32xf32, #tpu.memory_space<hbm>>
    %dma_start3A_145 = arith.constant 0 : i32
    %dma_start3A_146 = arith.constant 0 : i32
    %dma_start3A_147 = tpu.memref_slice %arg8[%dma_start3A_132, %dma_start3A_145, %dma_start3A_146] : memref<4x128x32xf32, #tpu.memory_space<vmem>> -> memref<1x128x32xf32, #tpu.memory_space<vmem>>
    %dma_start3A_148 = tpu.memref_squeeze %dma_start3A_147 : memref<1x128x32xf32, #tpu.memory_space<vmem>> -> memref<128x32xf32, #tpu.memory_space<vmem>>
    tpu.enqueue_dma source(%dma_start3A_148 : memref<128x32xf32, #tpu.memory_space<vmem>>) target(%dma_start3A_144 : memref<128x32xf32, #tpu.memory_space<hbm>>) target_semaphore(%arg14 : memref<!tpu.dma_semaphore, #tpu.memory_space<semaphore_mem>>)
    %mul3A_149 = arith.constant 4 : i32
    %mul3A_150 = arith.muli %add3A, %mul3A_149 : i32
    %add3A_151 = arith.constant 25472 : i32
    %add3A_152 = arith.addi %add3A_151, %mul3A_150 : i32
    %add3A_153 = arith.constant 3 : i32
    %add3A_154 = arith.addi %add3A_152, %add3A_153 : i32
    %dma_start3A_155 = arith.constant 3 : i32
    %dma_start3A_156 = arith.constant 0 : i32
    %dma_start3A_157 = arith.constant 0 : i32
    %dma_start3A_158 = tpu.memref_slice %arg8[%dma_start3A_155, %dma_start3A_156, %dma_start3A_157] : memref<4x128x32xf32, #tpu.memory_space<vmem>> -> memref<1x128x32xf32, #tpu.memory_space<vmem>>
    %dma_start3A_159 = tpu.memref_squeeze %dma_start3A_158 : memref<1x128x32xf32, #tpu.memory_space<vmem>> -> memref<128x32xf32, #tpu.memory_space<vmem>>
    %dma_start3A_160 = arith.constant 0 : i32
    %dma_start3A_161 = arith.constant 0 : i32
    %dma_start3A_162 = tpu.memref_slice %arg4[%add3A_154, %dma_start3A_160, %dma_start3A_161] : memref<25600x128x32xf32, #tpu.memory_space<hbm>> -> memref<1x128x32xf32, #tpu.memory_space<hbm>>
    %dma_start3A_163 = tpu.memref_squeeze %dma_start3A_162 : memref<1x128x32xf32, #tpu.memory_space<hbm>> -> memref<128x32xf32, #tpu.memory_space<hbm>>
    %dma_start3A_164 = arith.constant 0 : i32
    %dma_start3A_165 = arith.constant 0 : i32
    %dma_start3A_166 = tpu.memref_slice %arg4[%add3A_154, %dma_start3A_164, %dma_start3A_165] : memref<25600x128x32xf32, #tpu.memory_space<hbm>> -> memref<1x128x32xf32, #tpu.memory_space<hbm>>
    %dma_start3A_167 = tpu.memref_squeeze %dma_start3A_166 : memref<1x128x32xf32, #tpu.memory_space<hbm>> -> memref<128x32xf32, #tpu.memory_space<hbm>>
    %dma_start3A_168 = arith.constant 0 : i32
    %dma_start3A_169 = arith.constant 0 : i32
    %dma_start3A_170 = tpu.memref_slice %arg8[%dma_start3A_155, %dma_start3A_168, %dma_start3A_169] : memref<4x128x32xf32, #tpu.memory_space<vmem>> -> memref<1x128x32xf32, #tpu.memory_space<vmem>>
    %dma_start3A_171 = tpu.memref_squeeze %dma_start3A_170 : memref<1x128x32xf32, #tpu.memory_space<vmem>> -> memref<128x32xf32, #tpu.memory_space<vmem>>
    tpu.enqueue_dma source(%dma_start3A_171 : memref<128x32xf32, #tpu.memory_space<vmem>>) target(%dma_start3A_167 : memref<128x32xf32, #tpu.memory_space<hbm>>) target_semaphore(%arg14 : memref<!tpu.dma_semaphore, #tpu.memory_space<semaphore_mem>>)
    %dma_wait3A_172 = arith.constant 0 : i32
    %dma_wait3A_173 = arith.constant 0 : i32
    %dma_wait3A_174 = arith.constant 0 : i32
    %dma_wait3A_175 = arith.constant 0 : i32
    %dma_wait3A_176 = tpu.memref_slice %arg7[%dma_wait3A_172, %dma_wait3A_174, %dma_wait3A_175] : memref<4x128x32xf32, #tpu.memory_space<vmem>> -> memref<1x128x32xf32, #tpu.memory_space<vmem>>
    %dma_wait3A_177 = tpu.memref_squeeze %dma_wait3A_176 : memref<1x128x32xf32, #tpu.memory_space<vmem>> -> memref<128x32xf32, #tpu.memory_space<vmem>>
    %dma_wait3A_178 = arith.constant 0 : i32
    %dma_wait3A_179 = arith.constant 0 : i32
    %dma_wait3A_180 = tpu.memref_slice %arg4[%dma_wait3A_173, %dma_wait3A_178, %dma_wait3A_179] : memref<25600x128x32xf32, #tpu.memory_space<hbm>> -> memref<1x128x32xf32, #tpu.memory_space<hbm>>
    %dma_wait3A_181 = tpu.memref_squeeze %dma_wait3A_180 : memref<1x128x32xf32, #tpu.memory_space<hbm>> -> memref<128x32xf32, #tpu.memory_space<hbm>>
    %dma_wait3A_182 = arith.constant 0 : i32
    %dma_wait3A_183 = arith.constant 0 : i32
    %dma_wait3A_184 = tpu.memref_slice %arg4[%dma_wait3A_173, %dma_wait3A_182, %dma_wait3A_183] : memref<25600x128x32xf32, #tpu.memory_space<hbm>> -> memref<1x128x32xf32, #tpu.memory_space<hbm>>
    %dma_wait3A_185 = tpu.memref_squeeze %dma_wait3A_184 : memref<1x128x32xf32, #tpu.memory_space<hbm>> -> memref<128x32xf32, #tpu.memory_space<hbm>>
    %dma_wait3A_186 = arith.constant 0 : i32
    %dma_wait3A_187 = arith.constant 0 : i32
    %dma_wait3A_188 = tpu.memref_slice %arg7[%dma_wait3A_172, %dma_wait3A_186, %dma_wait3A_187] : memref<4x128x32xf32, #tpu.memory_space<vmem>> -> memref<1x128x32xf32, #tpu.memory_space<vmem>>
    %dma_wait3A_189 = tpu.memref_squeeze %dma_wait3A_188 : memref<1x128x32xf32, #tpu.memory_space<vmem>> -> memref<128x32xf32, #tpu.memory_space<vmem>>
    tpu.wait_dma2 semaphore(%arg13 : memref<!tpu.dma_semaphore, #tpu.memory_space<semaphore_mem>>) src(%dma_wait3A_189 : memref<128x32xf32, #tpu.memory_space<vmem>>) dst(%dma_wait3A_185 : memref<128x32xf32, #tpu.memory_space<hbm>>)
    %dma_wait3A_190 = arith.constant 1 : i32
    %dma_wait3A_191 = arith.constant 0 : i32
    %dma_wait3A_192 = arith.constant 0 : i32
    %dma_wait3A_193 = arith.constant 0 : i32
    %dma_wait3A_194 = tpu.memref_slice %arg7[%dma_wait3A_190, %dma_wait3A_192, %dma_wait3A_193] : memref<4x128x32xf32, #tpu.memory_space<vmem>> -> memref<1x128x32xf32, #tpu.memory_space<vmem>>
    %dma_wait3A_195 = tpu.memref_squeeze %dma_wait3A_194 : memref<1x128x32xf32, #tpu.memory_space<vmem>> -> memref<128x32xf32, #tpu.memory_space<vmem>>
    %dma_wait3A_196 = arith.constant 0 : i32
    %dma_wait3A_197 = arith.constant 0 : i32
    %dma_wait3A_198 = tpu.memref_slice %arg4[%dma_wait3A_191, %dma_wait3A_196, %dma_wait3A_197] : memref<25600x128x32xf32, #tpu.memory_space<hbm>> -> memref<1x128x32xf32, #tpu.memory_space<hbm>>
    %dma_wait3A_199 = tpu.memref_squeeze %dma_wait3A_198 : memref<1x128x32xf32, #tpu.memory_space<hbm>> -> memref<128x32xf32, #tpu.memory_space<hbm>>
    %dma_wait3A_200 = arith.constant 0 : i32
    %dma_wait3A_201 = arith.constant 0 : i32
    %dma_wait3A_202 = tpu.memref_slice %arg4[%dma_wait3A_191, %dma_wait3A_200, %dma_wait3A_201] : memref<25600x128x32xf32, #tpu.memory_space<hbm>> -> memref<1x128x32xf32, #tpu.memory_space<hbm>>
    %dma_wait3A_203 = tpu.memref_squeeze %dma_wait3A_202 : memref<1x128x32xf32, #tpu.memory_space<hbm>> -> memref<128x32xf32, #tpu.memory_space<hbm>>
    %dma_wait3A_204 = arith.constant 0 : i32
    %dma_wait3A_205 = arith.constant 0 : i32
    %dma_wait3A_206 = tpu.memref_slice %arg7[%dma_wait3A_190, %dma_wait3A_204, %dma_wait3A_205] : memref<4x128x32xf32, #tpu.memory_space<vmem>> -> memref<1x128x32xf32, #tpu.memory_space<vmem>>
    %dma_wait3A_207 = tpu.memref_squeeze %dma_wait3A_206 : memref<1x128x32xf32, #tpu.memory_space<vmem>> -> memref<128x32xf32, #tpu.memory_space<vmem>>
    tpu.wait_dma2 semaphore(%arg13 : memref<!tpu.dma_semaphore, #tpu.memory_space<semaphore_mem>>) src(%dma_wait3A_207 : memref<128x32xf32, #tpu.memory_space<vmem>>) dst(%dma_wait3A_203 : memref<128x32xf32, #tpu.memory_space<hbm>>)
    %dma_wait3A_208 = arith.constant 2 : i32
    %dma_wait3A_209 = arith.constant 0 : i32
    %dma_wait3A_210 = arith.constant 0 : i32
    %dma_wait3A_211 = arith.constant 0 : i32
    %dma_wait3A_212 = tpu.memref_slice %arg7[%dma_wait3A_208, %dma_wait3A_210, %dma_wait3A_211] : memref<4x128x32xf32, #tpu.memory_space<vmem>> -> memref<1x128x32xf32, #tpu.memory_space<vmem>>
    %dma_wait3A_213 = tpu.memref_squeeze %dma_wait3A_212 : memref<1x128x32xf32, #tpu.memory_space<vmem>> -> memref<128x32xf32, #tpu.memory_space<vmem>>
    %dma_wait3A_214 = arith.constant 0 : i32
    %dma_wait3A_215 = arith.constant 0 : i32
    %dma_wait3A_216 = tpu.memref_slice %arg4[%dma_wait3A_209, %dma_wait3A_214, %dma_wait3A_215] : memref<25600x128x32xf32, #tpu.memory_space<hbm>> -> memref<1x128x32xf32, #tpu.memory_space<hbm>>
    %dma_wait3A_217 = tpu.memref_squeeze %dma_wait3A_216 : memref<1x128x32xf32, #tpu.memory_space<hbm>> -> memref<128x32xf32, #tpu.memory_space<hbm>>
    %dma_wait3A_218 = arith.constant 0 : i32
    %dma_wait3A_219 = arith.constant 0 : i32
    %dma_wait3A_220 = tpu.memref_slice %arg4[%dma_wait3A_209, %dma_wait3A_218, %dma_wait3A_219] : memref<25600x128x32xf32, #tpu.memory_space<hbm>> -> memref<1x128x32xf32, #tpu.memory_space<hbm>>
    %dma_wait3A_221 = tpu.memref_squeeze %dma_wait3A_220 : memref<1x128x32xf32, #tpu.memory_space<hbm>> -> memref<128x32xf32, #tpu.memory_space<hbm>>
    %dma_wait3A_222 = arith.constant 0 : i32
    %dma_wait3A_223 = arith.constant 0 : i32
    %dma_wait3A_224 = tpu.memref_slice %arg7[%dma_wait3A_208, %dma_wait3A_222, %dma_wait3A_223] : memref<4x128x32xf32, #tpu.memory_space<vmem>> -> memref<1x128x32xf32, #tpu.memory_space<vmem>>
    %dma_wait3A_225 = tpu.memref_squeeze %dma_wait3A_224 : memref<1x128x32xf32, #tpu.memory_space<vmem>> -> memref<128x32xf32, #tpu.memory_space<vmem>>
    tpu.wait_dma2 semaphore(%arg13 : memref<!tpu.dma_semaphore, #tpu.memory_space<semaphore_mem>>) src(%dma_wait3A_225 : memref<128x32xf32, #tpu.memory_space<vmem>>) dst(%dma_wait3A_221 : memref<128x32xf32, #tpu.memory_space<hbm>>)
    %dma_wait3A_226 = arith.constant 3 : i32
    %dma_wait3A_227 = arith.constant 0 : i32
    %dma_wait3A_228 = arith.constant 0 : i32
    %dma_wait3A_229 = arith.constant 0 : i32
    %dma_wait3A_230 = tpu.memref_slice %arg7[%dma_wait3A_226, %dma_wait3A_228, %dma_wait3A_229] : memref<4x128x32xf32, #tpu.memory_space<vmem>> -> memref<1x128x32xf32, #tpu.memory_space<vmem>>
    %dma_wait3A_231 = tpu.memref_squeeze %dma_wait3A_230 : memref<1x128x32xf32, #tpu.memory_space<vmem>> -> memref<128x32xf32, #tpu.memory_space<vmem>>
    %dma_wait3A_232 = arith.constant 0 : i32
    %dma_wait3A_233 = arith.constant 0 : i32
    %dma_wait3A_234 = tpu.memref_slice %arg4[%dma_wait3A_227, %dma_wait3A_232, %dma_wait3A_233] : memref<25600x128x32xf32, #tpu.memory_space<hbm>> -> memref<1x128x32xf32, #tpu.memory_space<hbm>>
    %dma_wait3A_235 = tpu.memref_squeeze %dma_wait3A_234 : memref<1x128x32xf32, #tpu.memory_space<hbm>> -> memref<128x32xf32, #tpu.memory_space<hbm>>
    %dma_wait3A_236 = arith.constant 0 : i32
    %dma_wait3A_237 = arith.constant 0 : i32
    %dma_wait3A_238 = tpu.memref_slice %arg4[%dma_wait3A_227, %dma_wait3A_236, %dma_wait3A_237] : memref<25600x128x32xf32, #tpu.memory_space<hbm>> -> memref<1x128x32xf32, #tpu.memory_space<hbm>>
    %dma_wait3A_239 = tpu.memref_squeeze %dma_wait3A_238 : memref<1x128x32xf32, #tpu.memory_space<hbm>> -> memref<128x32xf32, #tpu.memory_space<hbm>>
    %dma_wait3A_240 = arith.constant 0 : i32
    %dma_wait3A_241 = arith.constant 0 : i32
    %dma_wait3A_242 = tpu.memref_slice %arg7[%dma_wait3A_226, %dma_wait3A_240, %dma_wait3A_241] : memref<4x128x32xf32, #tpu.memory_space<vmem>> -> memref<1x128x32xf32, #tpu.memory_space<vmem>>
    %dma_wait3A_243 = tpu.memref_squeeze %dma_wait3A_242 : memref<1x128x32xf32, #tpu.memory_space<vmem>> -> memref<128x32xf32, #tpu.memory_space<vmem>>
    tpu.wait_dma2 semaphore(%arg13 : memref<!tpu.dma_semaphore, #tpu.memory_space<semaphore_mem>>) src(%dma_wait3A_243 : memref<128x32xf32, #tpu.memory_space<vmem>>) dst(%dma_wait3A_239 : memref<128x32xf32, #tpu.memory_space<hbm>>)
    %dma_wait3A_244 = arith.constant 0 : i32
    %dma_wait3A_245 = arith.constant 0 : i32
    %dma_wait3A_246 = arith.constant 0 : i32
    %dma_wait3A_247 = arith.constant 0 : i32
    %dma_wait3A_248 = tpu.memref_slice %arg8[%dma_wait3A_244, %dma_wait3A_246, %dma_wait3A_247] : memref<4x128x32xf32, #tpu.memory_space<vmem>> -> memref<1x128x32xf32, #tpu.memory_space<vmem>>
    %dma_wait3A_249 = tpu.memref_squeeze %dma_wait3A_248 : memref<1x128x32xf32, #tpu.memory_space<vmem>> -> memref<128x32xf32, #tpu.memory_space<vmem>>
    %dma_wait3A_250 = arith.constant 0 : i32
    %dma_wait3A_251 = arith.constant 0 : i32
    %dma_wait3A_252 = tpu.memref_slice %arg4[%dma_wait3A_245, %dma_wait3A_250, %dma_wait3A_251] : memref<25600x128x32xf32, #tpu.memory_space<hbm>> -> memref<1x128x32xf32, #tpu.memory_space<hbm>>
    %dma_wait3A_253 = tpu.memref_squeeze %dma_wait3A_252 : memref<1x128x32xf32, #tpu.memory_space<hbm>> -> memref<128x32xf32, #tpu.memory_space<hbm>>
    %dma_wait3A_254 = arith.constant 0 : i32
    %dma_wait3A_255 = arith.constant 0 : i32
    %dma_wait3A_256 = tpu.memref_slice %arg4[%dma_wait3A_245, %dma_wait3A_254, %dma_wait3A_255] : memref<25600x128x32xf32, #tpu.memory_space<hbm>> -> memref<1x128x32xf32, #tpu.memory_space<hbm>>
    %dma_wait3A_257 = tpu.memref_squeeze %dma_wait3A_256 : memref<1x128x32xf32, #tpu.memory_space<hbm>> -> memref<128x32xf32, #tpu.memory_space<hbm>>
    %dma_wait3A_258 = arith.constant 0 : i32
    %dma_wait3A_259 = arith.constant 0 : i32
    %dma_wait3A_260 = tpu.memref_slice %arg8[%dma_wait3A_244, %dma_wait3A_258, %dma_wait3A_259] : memref<4x128x32xf32, #tpu.memory_space<vmem>> -> memref<1x128x32xf32, #tpu.memory_space<vmem>>
    %dma_wait3A_261 = tpu.memref_squeeze %dma_wait3A_260 : memref<1x128x32xf32, #tpu.memory_space<vmem>> -> memref<128x32xf32, #tpu.memory_space<vmem>>
    tpu.wait_dma2 semaphore(%arg14 : memref<!tpu.dma_semaphore, #tpu.memory_space<semaphore_mem>>) src(%dma_wait3A_261 : memref<128x32xf32, #tpu.memory_space<vmem>>) dst(%dma_wait3A_257 : memref<128x32xf32, #tpu.memory_space<hbm>>)
    %dma_wait3A_262 = arith.constant 1 : i32
    %dma_wait3A_263 = arith.constant 0 : i32
    %dma_wait3A_264 = arith.constant 0 : i32
    %dma_wait3A_265 = arith.constant 0 : i32
    %dma_wait3A_266 = tpu.memref_slice %arg8[%dma_wait3A_262, %dma_wait3A_264, %dma_wait3A_265] : memref<4x128x32xf32, #tpu.memory_space<vmem>> -> memref<1x128x32xf32, #tpu.memory_space<vmem>>
    %dma_wait3A_267 = tpu.memref_squeeze %dma_wait3A_266 : memref<1x128x32xf32, #tpu.memory_space<vmem>> -> memref<128x32xf32, #tpu.memory_space<vmem>>
    %dma_wait3A_268 = arith.constant 0 : i32
    %dma_wait3A_269 = arith.constant 0 : i32
    %dma_wait3A_270 = tpu.memref_slice %arg4[%dma_wait3A_263, %dma_wait3A_268, %dma_wait3A_269] : memref<25600x128x32xf32, #tpu.memory_space<hbm>> -> memref<1x128x32xf32, #tpu.memory_space<hbm>>
    %dma_wait3A_271 = tpu.memref_squeeze %dma_wait3A_270 : memref<1x128x32xf32, #tpu.memory_space<hbm>> -> memref<128x32xf32, #tpu.memory_space<hbm>>
    %dma_wait3A_272 = arith.constant 0 : i32
    %dma_wait3A_273 = arith.constant 0 : i32
    %dma_wait3A_274 = tpu.memref_slice %arg4[%dma_wait3A_263, %dma_wait3A_272, %dma_wait3A_273] : memref<25600x128x32xf32, #tpu.memory_space<hbm>> -> memref<1x128x32xf32, #tpu.memory_space<hbm>>
    %dma_wait3A_275 = tpu.memref_squeeze %dma_wait3A_274 : memref<1x128x32xf32, #tpu.memory_space<hbm>> -> memref<128x32xf32, #tpu.memory_space<hbm>>
    %dma_wait3A_276 = arith.constant 0 : i32
    %dma_wait3A_277 = arith.constant 0 : i32
    %dma_wait3A_278 = tpu.memref_slice %arg8[%dma_wait3A_262, %dma_wait3A_276, %dma_wait3A_277] : memref<4x128x32xf32, #tpu.memory_space<vmem>> -> memref<1x128x32xf32, #tpu.memory_space<vmem>>
    %dma_wait3A_279 = tpu.memref_squeeze %dma_wait3A_278 : memref<1x128x32xf32, #tpu.memory_space<vmem>> -> memref<128x32xf32, #tpu.memory_space<vmem>>
    tpu.wait_dma2 semaphore(%arg14 : memref<!tpu.dma_semaphore, #tpu.memory_space<semaphore_mem>>) src(%dma_wait3A_279 : memref<128x32xf32, #tpu.memory_space<vmem>>) dst(%dma_wait3A_275 : memref<128x32xf32, #tpu.memory_space<hbm>>)
    %dma_wait3A_280 = arith.constant 2 : i32
    %dma_wait3A_281 = arith.constant 0 : i32
    %dma_wait3A_282 = arith.constant 0 : i32
    %dma_wait3A_283 = arith.constant 0 : i32
    %dma_wait3A_284 = tpu.memref_slice %arg8[%dma_wait3A_280, %dma_wait3A_282, %dma_wait3A_283] : memref<4x128x32xf32, #tpu.memory_space<vmem>> -> memref<1x128x32xf32, #tpu.memory_space<vmem>>
    %dma_wait3A_285 = tpu.memref_squeeze %dma_wait3A_284 : memref<1x128x32xf32, #tpu.memory_space<vmem>> -> memref<128x32xf32, #tpu.memory_space<vmem>>
    %dma_wait3A_286 = arith.constant 0 : i32
    %dma_wait3A_287 = arith.constant 0 : i32
    %dma_wait3A_288 = tpu.memref_slice %arg4[%dma_wait3A_281, %dma_wait3A_286, %dma_wait3A_287] : memref<25600x128x32xf32, #tpu.memory_space<hbm>> -> memref<1x128x32xf32, #tpu.memory_space<hbm>>
    %dma_wait3A_289 = tpu.memref_squeeze %dma_wait3A_288 : memref<1x128x32xf32, #tpu.memory_space<hbm>> -> memref<128x32xf32, #tpu.memory_space<hbm>>
    %dma_wait3A_290 = arith.constant 0 : i32
    %dma_wait3A_291 = arith.constant 0 : i32
    %dma_wait3A_292 = tpu.memref_slice %arg4[%dma_wait3A_281, %dma_wait3A_290, %dma_wait3A_291] : memref<25600x128x32xf32, #tpu.memory_space<hbm>> -> memref<1x128x32xf32, #tpu.memory_space<hbm>>
    %dma_wait3A_293 = tpu.memref_squeeze %dma_wait3A_292 : memref<1x128x32xf32, #tpu.memory_space<hbm>> -> memref<128x32xf32, #tpu.memory_space<hbm>>
    %dma_wait3A_294 = arith.constant 0 : i32
    %dma_wait3A_295 = arith.constant 0 : i32
    %dma_wait3A_296 = tpu.memref_slice %arg8[%dma_wait3A_280, %dma_wait3A_294, %dma_wait3A_295] : memref<4x128x32xf32, #tpu.memory_space<vmem>> -> memref<1x128x32xf32, #tpu.memory_space<vmem>>
    %dma_wait3A_297 = tpu.memref_squeeze %dma_wait3A_296 : memref<1x128x32xf32, #tpu.memory_space<vmem>> -> memref<128x32xf32, #tpu.memory_space<vmem>>
    tpu.wait_dma2 semaphore(%arg14 : memref<!tpu.dma_semaphore, #tpu.memory_space<semaphore_mem>>) src(%dma_wait3A_297 : memref<128x32xf32, #tpu.memory_space<vmem>>) dst(%dma_wait3A_293 : memref<128x32xf32, #tpu.memory_space<hbm>>)
    %dma_wait3A_298 = arith.constant 3 : i32
    %dma_wait3A_299 = arith.constant 0 : i32
    %dma_wait3A_300 = arith.constant 0 : i32
    %dma_wait3A_301 = arith.constant 0 : i32
    %dma_wait3A_302 = tpu.memref_slice %arg8[%dma_wait3A_298, %dma_wait3A_300, %dma_wait3A_301] : memref<4x128x32xf32, #tpu.memory_space<vmem>> -> memref<1x128x32xf32, #tpu.memory_space<vmem>>
    %dma_wait3A_303 = tpu.memref_squeeze %dma_wait3A_302 : memref<1x128x32xf32, #tpu.memory_space<vmem>> -> memref<128x32xf32, #tpu.memory_space<vmem>>
    %dma_wait3A_304 = arith.constant 0 : i32
    %dma_wait3A_305 = arith.constant 0 : i32
    %dma_wait3A_306 = tpu.memref_slice %arg4[%dma_wait3A_299, %dma_wait3A_304, %dma_wait3A_305] : memref<25600x128x32xf32, #tpu.memory_space<hbm>> -> memref<1x128x32xf32, #tpu.memory_space<hbm>>
    %dma_wait3A_307 = tpu.memref_squeeze %dma_wait3A_306 : memref<1x128x32xf32, #tpu.memory_space<hbm>> -> memref<128x32xf32, #tpu.memory_space<hbm>>
    %dma_wait3A_308 = arith.constant 0 : i32
    %dma_wait3A_309 = arith.constant 0 : i32
    %dma_wait3A_310 = tpu.memref_slice %arg4[%dma_wait3A_299, %dma_wait3A_308, %dma_wait3A_309] : memref<25600x128x32xf32, #tpu.memory_space<hbm>> -> memref<1x128x32xf32, #tpu.memory_space<hbm>>
    %dma_wait3A_311 = tpu.memref_squeeze %dma_wait3A_310 : memref<1x128x32xf32, #tpu.memory_space<hbm>> -> memref<128x32xf32, #tpu.memory_space<hbm>>
    %dma_wait3A_312 = arith.constant 0 : i32
    %dma_wait3A_313 = arith.constant 0 : i32
    %dma_wait3A_314 = tpu.memref_slice %arg8[%dma_wait3A_298, %dma_wait3A_312, %dma_wait3A_313] : memref<4x128x32xf32, #tpu.memory_space<vmem>> -> memref<1x128x32xf32, #tpu.memory_space<vmem>>
    %dma_wait3A_315 = tpu.memref_squeeze %dma_wait3A_314 : memref<1x128x32xf32, #tpu.memory_space<vmem>> -> memref<128x32xf32, #tpu.memory_space<vmem>>
    tpu.wait_dma2 semaphore(%arg14 : memref<!tpu.dma_semaphore, #tpu.memory_space<semaphore_mem>>) src(%dma_wait3A_315 : memref<128x32xf32, #tpu.memory_space<vmem>>) dst(%dma_wait3A_311 : memref<128x32xf32, #tpu.memory_space<hbm>>)
    return
  }
}

module attributes {stable_mosaic.version = 14 : i64} {
  func.func @_tc_transform(%arg0: i32, %arg1: memref<1x128x128x32xf32, #tpu.memory_space<vmem>>, %arg2: memref<4x128x8x128xf32, #tpu.memory_space<vmem>>) attributes {dimension_semantics = [#tpu.dimension_semantics<arbitrary>], iteration_bounds = array<i64: 200>, scalar_prefetch = 0 : i64, scratch_operands = 0 : i64, tpu.core_type = #tpu.core_type<tc>, window_params = [{transform_indices = @transform_0, window_bounds = array<i64: 1, 128, 128, 32>}, {transform_indices = @transform_1, window_bounds = array<i64: 4, 128, 8, 128>}]} {
    %iota3A = tpu.iota {dimensions = array<i32: 0>} : vector<128x128xi32>
    %iota3A_0 = tpu.iota {dimensions = array<i32: 1>} : vector<128x128xi32>
    %add3A = arith.constant 0 : i32
    %add3A_1 = vector.broadcast %add3A : i32 to vector<128x128xi32>
    %add3A_2 = arith.addi %iota3A, %add3A_1 : vector<128x128xi32>
    %eq3A = arith.cmpi eq, %add3A_2, %iota3A_0 : vector<128x128xi32>
    %convert_element_type3A = arith.extui %eq3A : vector<128x128xi1> to vector<128x128xi32>
    %convert_element_type3A_3 = arith.sitofp %convert_element_type3A : vector<128x128xi32> to vector<128x128xf32>
    %scan3A = arith.constant 0 : i32
    %scan3A_4 = arith.constant 128 : i32
    %scan3A_5 = arith.addi %scan3A, %scan3A_4 : i32
    %scan3A_6 = arith.constant 1 : i32
    scf.for %scan3A_8 = %scan3A to %scan3A_5 step %scan3A_6  : i32 {
      %get3A = arith.constant 0 : index
      %get3A_9 = arith.index_cast %scan3A_8 : i32 to index
      %get3A_10 = arith.constant 0 : index
      %get3A_11 = arith.constant 0 : index
      %get3A_12 = vector.load %arg1[%get3A, %get3A_9, %get3A_10, %get3A_11] : memref<1x128x128x32xf32, #tpu.memory_space<vmem>>, vector<1x1x128x32xf32>
      %get3A_13 = vector.shape_cast %get3A_12 : vector<1x1x128x32xf32> to vector<128x32xf32>
      %dot_general3A = arith.constant dense<0.000000e+00> : vector<32x128xf32>
      %dot_general3A_14 = tpu.matmul %get3A_13, %convert_element_type3A_3, %dot_general3A {dimension_numbers = #tpu.dot_dimension_numbers<[0], [0], [1], [1], [0, 1, 1, 1], [], []>, transpose_lhs_hint = false} : vector<128x32xf32>, vector<128x128xf32>, vector<32x128xf32> -> vector<32x128xf32>
      %reshape3A = vector.shape_cast %dot_general3A_14 : vector<32x128xf32> to vector<4x8x128xf32>
      %swap3A = arith.constant 0 : index
      %swap3A_15 = arith.index_cast %scan3A_8 : i32 to index
      %swap3A_16 = arith.constant 0 : index
      %swap3A_17 = arith.constant 0 : index
      %swap3A_18 = vector.load %arg2[%swap3A, %swap3A_15, %swap3A_16, %swap3A_17] : memref<4x128x8x128xf32, #tpu.memory_space<vmem>>, vector<4x1x8x128xf32>
      %swap3A_19 = vector.shape_cast %swap3A_18 : vector<4x1x8x128xf32> to vector<4x8x128xf32>
      %swap3A_20 = vector.shape_cast %reshape3A : vector<4x8x128xf32> to vector<4x1x8x128xf32>
      tpu.vector_store %arg2[%swap3A, %swap3A_15, %swap3A_16, %swap3A_17], %swap3A_20 {strides = array<i32>} : memref<4x128x8x128xf32, #tpu.memory_space<vmem>>, vector<4x1x8x128xf32>,
    }
    %scan3A_7 = arith.constant 128 : i32
    return
  }
  func.func @transform_0(%arg0: i32) -> (i32, i32, i32, i32) {
    %c0_i32 = arith.constant 0 : i32
    %c0_i32_0 = arith.constant 0 : i32
    %c0_i32_1 = arith.constant 0 : i32
    %c0_i32_2 = arith.constant 0 : i32
    return %arg0, %c0_i32, %c0_i32_0, %c0_i32_1 : i32, i32, i32, i32
  }
  func.func @transform_1(%arg0: i32) -> (i32, i32, i32, i32) {
    %c0_i32 = arith.constant 0 : i32
    %c0_i32_0 = arith.constant 0 : i32
    %c0_i32_1 = arith.constant 0 : i32
    %c0_i32_2 = arith.constant 0 : i32
    return %arg0, %c0_i32, %c0_i32_0, %c0_i32_1 : i32, i32, i32, i32
  }
}

</mosaic_0001>

<sc_bundles>
// kernel: kernel.4.cloned.1.call-start
scs
__scs_entry_jumppad:
0x0: {  	(pc) =	sbr.rel $0x88, $3  }
0x1: {  	(tag) =	ssettag $0x0;
	lr =	simm.s32 $0x1  }
0x2: {  	[smem:$0x3F9F] =	sst lr;
	_ =	strace $0xD0000000  }
0x3: {  	_ = 	snop  }
0x4: {  	_ = 	snop  }
0x5: {  	_ = 	snop  }
0x6: {  	_ = 	snop  }
0x7: {  	_ = 	snop  }
__scs_overlays_trampoline_lowered:
0x8: {  	[smem:$0x3FAE] =	sst s0  }
0x9: {  	[smem:$0x3FAF] =	sst s1  }
0xa: {  	[smem:$0x3FB0] =	sst s2  }
0xb: {  	[smem:$0x3FB1] =	sst s3  }
0xc: {  	[smem:$0x3FB2] =	sst s4  }
0xd: {  	[smem:$0x3FB3] =	sst s5  }
0xe: {  	[smem:$0x3FB4] =	sst s6  }
0xf: {  	[smem:$0x3FB5] =	sst s7  }
0x10: {  	[smem:$0x3FB6] =	sst s8  }
0x11: {  	[smem:$0x3FB7] =	sst s9;
	s0 =	simm.s32 @!p0 $0x0  }
0x12: {  	s1 =	sld [smem:$0x3F9D];
	s0 =	simm.s32 @p0 $0x1  }
0x13: {  	[smem:$0x3FB8] =	sst s0;
	s0 =	simm.s32 @!p1 $0x0  }
0x14: {  	s2 =	sld [smem:$0x3F9C];
	s0 =	simm.s32 @p1 $0x1  }
0x15: {  	[smem:$0x3FB9] =	sst s0;
	s0 =	simm.s32 @!p2 $0x0  }
0x16: {  	s3 =	sld [smem:$0x3FDB];
	s0 =	simm.s32 @p2 $0x1  }
0x17: {  	s4 =	simm.s32 $0x1BF5;
	[smem:$0x3FBB] =	sst s0  }
0x18: {  	s0 =	sld [smem:$0x3F9E];
	_ =	swait.ge [sflag:s4], $0x0  }
0x19: {  	s7 =	sld [smem:$0x3F9F]  }
0x1a: {  	s8 =	sadd.s32 $0xFFFFE003, lr  }
0x1b: {  	s9 =	sadd.s32 $0xFFFFFEF7, lr;
	s5 =	simm.s32 $0xFFFFFFFF;
	p2 =	slt.u32 s8, $0xFFFFF086  }
0x1c: {  	p1 =	slt.u32 s9, $0xF7A;
	s5 =	simm.s32 @!p2 $0x0  }
0x1d: {  	s5 =	simm.s32 @p1 $0x1;
	p0 =	seq.s32 s7, s2  }
0x1e: {  	s7 =	smul.u32 @!p0 $0xF7A, s2;
	p2 =	seq.s32 @!p0 s5, $0x0  }
0x1f: {  	s9 =	smul.u32 $0xF7A, s1;
	s8 =	simm.s32 @!p0 $0x1BF5;
	p2 =	por !p2, p0  }
0x20: {  	[sflag:s8] =	ssyncset.s32 @!p0 $0xFFFFF086;
	s6 =	sadd.s32 @!p0 s3, s7;
	s7 =	simm.s32 @!p0 $0x108  }
0x21: {  	s3 =	sadd.s32 s3, s9;
	s6 =	sadd.s32 @!p0 $0x88, s6;
	s7 =	simm.s32 @p2 $0x1082  }
0x22: {  	[simem:s7], [sflag:s8] =	dma.local @!p0 [hbm:s6], $0xF7A  }
0x23: {  	s9 =	sor.u32 $0xD0000000, s2;
	s6 =	simm.s32 $0x108;
	_ =	swait.ge @!p0 [sflag:s8], $0x0  }
0x24: {  	s3 =	sadd.s32 $0x88, s3;
	s6 =	simm.s32 @!p1 $0x1082;
	[sflag:s4] =	ssyncset.s32 $0xFFFFF086  }
0x25: {  	[simem:s6], [sflag:s4] =	dma.local [hbm:s3], $0xF7A  }
0x26: {  	[smem:$0x3F9F] =	sst s1;
	(tag) =	ssettag s2;
	_ =	strace s9  }
0x27: {  	s1 =	sld [smem:$0x3FAF]  }
0x28: {  	s2 =	sld [smem:$0x3FB0]  }
0x29: {  	s4 =	sld [smem:$0x3FB2]  }
0x2a: {  	p0 =	seq.s32 s5, $0x0;
	s5 =	sld [smem:$0x3FB3]  }
0x2b: {  	s6 =	sld [smem:$0x3FB4]  }
0x2c: {  	s7 =	sld [smem:$0x3FB5]  }
0x2d: {  	s3 =	simm.s32 $0x108;
	s8 =	sld [smem:$0x3FB6]  }
0x2e: {  	s3 =	simm.s32 @!p0 $0x1082;
	s9 =	sld [smem:$0x3FB7]  }
0x2f: {  	lr =	sadd.s32 s0, s3;
	s0 =	sld [smem:$0x3FAE]  }
0x30: {  	s3 =	sld [smem:$0x3FB1]  }
0x31: {  	[smem:$0x3FBA] =	sst s10  }
0x32: {  	s10 =	sld [smem:$0x3FB8];
	_ =	sdelay $0x3  }
0x33: {  	p0 =	seq.s32 s10, $0x1;
	s10 =	sld [smem:$0x3FBA];
	_ =	sdelay $0x3  }
0x34: {  	[smem:$0x3FBA] =	sst s10  }
0x35: {  	s10 =	sld [smem:$0x3FB9];
	_ =	sdelay $0x3  }
0x36: {  	p1 =	seq.s32 s10, $0x1;
	s10 =	sld [smem:$0x3FBA];
	_ =	sdelay $0x3  }
0x37: {  	[smem:$0x3FBA] =	sst s10  }
0x38: {  	s10 =	sld [smem:$0x3FBB]  }
0x39: {  	_ = 	snop;
	(pc) =	sbr.ind lr, $3  }
0x3a: {  	_ = 	snop  }
0x3b: {  	_ = 	snop  }
0x3c: {  	p2 =	seq.s32 s10, $0x1;
	s10 =	sld [smem:$0x3FBA]  }
0x3d: {  	_ =	shalt  }
0x3e: {  	_ =	shalt  }
0x3f: {  	_ =	shalt  }
0x40: {  	_ =	shalt  }
0x41: {  	_ =	shalt  }
0x42: {  	_ =	shalt  }
0x43: {  	_ =	shalt  }
0x44: {  	_ =	shalt  }
0x45: {  	_ =	shalt  }
0x46: {  	_ =	shalt  }
0x47: {  	_ =	shalt  }
0x48: {  	_ =	shalt  }
0x49: {  	_ =	shalt  }
0x4a: {  	_ =	shalt  }
0x4b: {  	_ =	shalt  }
0x4c: {  	_ =	shalt  }
0x4d: {  	_ =	shalt  }
0x4e: {  	_ =	shalt  }
0x4f: {  	_ =	shalt  }
0x50: {  	_ =	shalt  }
0x51: {  	_ =	shalt  }
0x52: {  	_ =	shalt  }
0x53: {  	_ =	shalt  }
0x54: {  	_ =	shalt  }
0x55: {  	_ =	shalt  }
0x56: {  	_ =	shalt  }
0x57: {  	_ =	shalt  }
0x58: {  	_ =	shalt  }
0x59: {  	_ =	shalt  }
0x5a: {  	_ =	shalt  }
0x5b: {  	_ =	shalt  }
0x5c: {  	_ =	shalt  }
0x5d: {  	_ =	shalt  }
0x5e: {  	_ =	shalt  }
0x5f: {  	_ =	shalt  }
0x60: {  	_ =	shalt  }
0x61: {  	_ =	shalt  }
0x62: {  	_ =	shalt  }
0x63: {  	_ =	shalt  }
0x64: {  	_ =	shalt  }
0x65: {  	_ =	shalt  }
0x66: {  	_ =	shalt  }
0x67: {  	_ =	shalt  }
0x68: {  	_ =	shalt  }
0x69: {  	_ =	shalt  }
0x6a: {  	_ =	shalt  }
0x6b: {  	_ =	shalt  }
0x6c: {  	_ =	shalt  }
0x6d: {  	_ =	shalt  }
0x6e: {  	_ =	shalt  }
0x6f: {  	_ =	shalt  }
0x70: {  	_ =	shalt  }
0x71: {  	_ =	shalt  }
0x72: {  	_ =	shalt  }
0x73: {  	_ =	shalt  }
0x74: {  	_ =	shalt  }
0x75: {  	_ =	shalt  }
0x76: {  	_ =	shalt  }
0x77: {  	_ =	shalt  }
0x78: {  	_ =	shalt  }
0x79: {  	_ =	shalt  }
0x7a: {  	_ =	shalt  }
0x7b: {  	_ =	shalt  }
0x7c: {  	_ =	shalt  }
0x7d: {  	_ =	shalt  }
0x7e: {  	_ =	shalt  }
0x7f: {  	_ =	shalt  }
0x80: {  	_ =	shalt  }
0x81: {  	_ =	shalt  }
0x82: {  	_ =	shalt  }
0x83: {  	_ =	shalt  }
0x84: {  	_ =	shalt  }
0x85: {  	_ =	shalt  }
0x86: {  	_ =	shalt  }
0x87: {  	_ =	shalt  }
.Lfunc_end0:
.L_simem_size_0:
called_computation_lowered:
.L_overlay_start_0:
0x88: {  	s2 =	sld [smem:$0x3FD9]  }
0x89: {  	s3 =	sld [smem:$0x3FFE];
	_ =	sdelay $0x1  }
0x8a: {  	s1 =	srdreg.scid  }
0x8b: {  	s0 =	sand.u32 $0x1, s1  }
0x8c: {  	s17 =	sshll.u32 s0, $0xA;
	s2 =	sadd.s32 s3, s2  }
0x8d: {  	s2 =	sadd.s32 s2, s17  }
0x8e: {  	[smem:$0x3FC6] =	sst s2  }
0x8f: {  	_ = 	snop  }
0x90: {  	s2 =	sld [smem:$0x3FD0];
	(tm) =	ssettm $0x1  }
0x91: {  	s18 =	sld [smem:$0x3FFB];
	_ =	sdelay $0x3  }
0x92: {  	_ =	strace s18  }
0x93: {  	s3 =	sld [smem:$0x3FFC];
	_ =	sdelay $0x3  }
0x94: {  	_ =	strace s3  }
0x95: {  	s3 =	sld [smem:$0x3FFD];
	_ =	sdelay $0x3  }
0x96: {  	_ =	strace s3  }
0x97: {  	_ =	strace $0x8FFFFFFF  }
0x98: {  	s19 =	sld [smem:$0x3FDB];
	_ =	sdelay $0x1  }
0x99: {  	s4 =	simm.s32 $_scs_section_size  }
0x9a: {  	s5 =	simm.s32 $_size__tile_overlayer_lowered;
	s6 =	simm.s32 $_tile_overlayer_lowered  }
0x9b: {  	s22 =	simm.s32 $0x1BFF;
	s21 =	sshll.u32 s6, $0x1;
	s3 =	sadd.s32 s4, s19  }
0x9c: {  	s7 =	simm.s32 $0x0;
	s20 =	sshll.u32 s5, $0x1;
	s5 =	sadd.s32 s21, s3  }
0x9d: {  	[timem:s7], [sflag:s22] =	dma.local [hbm:s5], s20  }
0x9e: {  	_ =	swait.ge [sflag:s22], s20  }
0x9f: {  	s4 =	ssub.s32 $0x0, s20;
	[sflag:s22] =	ssyncset.done $0x0  }
0xa0: {  	[sflag:s22] =	ssyncadd.s32 s4;
	_ =	sdelay $0x1  }
0xa1: {  	s23 =	simm.s32 $0x1B8B  }
0xa2: {  	_ =	swait.ge [sflag:s23], $0x1  }
0xa3: {  	[sflag:s23] =	ssyncset.done $0x0  }
0xa4: {  	s25 =	simm.s32 $0x1B8E;
	s24 =	sld [smem:$0x3FFE];
	[sflag:s23] =	ssyncadd.s32 $0xFFFFFFFF  }
0xa5: {  	s26 =	simm.s32 $execute0_lowered;
	[smem:$0x3FD2] =	sst s25  }
0xa6: {  	s5 =	sshll.u32 s26, $0x1;
	_ =	strace $0x80000046;
	[dreg:$0x1] =	wrdreg $0xFFFFFFFF  }
0xa7: {  	s28 =	simm.s32 $_size_execute0_lowered;
	s3 =	sadd.s32 s3, s5;
	[dreg:$0x0] =	wrdreg $0x0  }
0xa8: {  	s5 =	sshll.u32 s28, $0x1;
	[dreg:$0x2] =	wrdreg s3  }
0xa9: {  	[dreg:$0x3] =	wrdreg s5  }
0xaa: {  	[dreg:$0x4] =	wrdreg $0xC0  }
0xab: {  	_ =	task [dreg:s7], $0x5FFFF  }
0xac: {  	[dreg:$0x1] =	wrdreg $0xFFFFFFFF  }
0xad: {  	[dreg:$0x0] =	wrdreg $0x60  }
0xae: {  	[dreg:$0x2] =	wrdreg s24  }
0xaf: {  	[dreg:$0x3] =	wrdreg s2  }
0xb0: {  	[dreg:$0x4] =	wrdreg $0x9  }
0xb1: {  	_ =	task.clear_ibuf [dreg:s7], $0x5FFFF;
	_ =	strace $0x90000046  }
0xb2: {  	s29 =	simm.s32 $0x9;
	_ =	strace $0x80000048  }
0xb3: {  	_ =	swait.ge [sflag:s29], $0x1  }
0xb4: {  	[sflag:s29] =	ssyncadd.s32 $0xFFFFFFFF  }
0xb5: {  	_ =	strace $0x90000048  }
0xb6: {  	_ =	sfence  }
0xb7: {  	s30 =	sld [smem:$0x0];
	_ =	sdelay $0x2  }
0xb8: {  	s31 =	sshll.u32 s1, $0xD;
	s1 =	sshrl.u32 s1, $0x2  }
0xb9: {  	s3 =	sand.u32 $0x4000, s31;
	s1 =	sadd.s32 s1, s30  }
0xba: {  	s0 =	sor.u32 s3, s0;
	s1 =	sshll.u32 s1, $0x11  }
0xbb: {  	s0 =	sor.u32 s1, s0  }
0xbc: {  	s0 =	sadd.s32 $0x8F2B, s0  }
0xbd: {  	[sflag:s0] =	ssyncadd.remote.s32 $0x1  }
0xbe: {  	_ =	sfence.sel $0xFFFF  }
0xbf: {  	[dreg:$0x0] =	wrdreg $0xFFFFFFFF;
	(pc) =	sbr.abs _section_cstart, $3  }
0xc0: {  	[dreg:$0x1] =	wrdreg $0xFFFFFFFF  }
0xc1: {  	_ =	task.clear_ibuf [dreg:s7], $0x2FFFF;
	_ =	strace $0x9FFFFFFF  }
0xc2: {  	(tm) =	ssettm $0x7FFFFFFF  }
0xc3: {  	_ =	shalt  }
tec
execute0_lowered:
.L_overlay_start_1:
0x0: {  	(tag) =	ssettag $0x1  }
0x1: {  	s0 =	rddreg [dreg:$0x0]  }
0x2: {  	s12 =	rddreg [dreg:$0x1]  }
0x3: {  	s1 =	srdreg.scid;
	s3 =	simm.s32 $0x0;
	s2 =	stileid.u32  }
0x4: {  	s18 =	simm.s32 $0x200;
	s19 =	simm.s32 $0x1;
	s20 =	simm.s32 $0x80  }
0x5: {  	s28 =	simm.s32 $0x2;
	s29 =	simm.s32 $0x4400;
	s30 =	simm.s32 $0x280  }
0x6: {  	s31 =	simm.s32 $0x5400;
	s13 =	simm.s32 $0x6;
	s14 =	simm.s32 $0x0  }
0x7: {  	s1 =	sand.u32 $0x1, s1;
	[smem:$0x7FF] =	sst s3;
	s4 =	sshll.u32 s2, $0x3  }
0x8: {  	s6 =	sadd.s32 $0x400, s0;
	s10 =	sadd.s32 $0x400, s12;
	s24 =	sshll.u32 s2, $0xC  }
0x9: {  	s25 =	sshll.u32 s2, $0x7;
	s5 =	sshll.u32 s1, $0x2;
	_ =	strace $0x80000047  }
0xa: {  	s21 =	ssub.s32 $0x2, s1;
	s11 =	sshll.u32 s1, $0xB;
	s1 =	sshll.u32 s1, $0x6  }
0xb: {  	s5 =	sor.u32 s5, s4;
	s4 =	sadd.s32 $0xFA6800, s0;
	s8 =	sshrl.u32 s21, $0x1  }
0xc: {  	s15 =	sor.u32 s11, s24;
	s24 =	simm.s32 $0x2400;
	s11 =	simm.s32 $0x4  }
0xd: {  	s7 =	sshll.u32 s5, $0x4;
	s5 =	sshll.u32 s5, $0x9;
	s0 =	ssub.s32 s21, s8  }
0xe: {  	s8 =	sadd.s32 $0x600, s12;
	s17 =	sadd.s32 s12, s15;
	s21 =	simm.s32 $0x400  }
0xf: {  	s7 =	sadd.s32 s6, s7;
	s5 =	sadd.s32 s5, s12;
	s6 =	sadd.s32 s25, s6  }
0x10: {  	s0 =	smax.u32 s0, $0x1;
	s25 =	simm.s32 $0x180;
	[dreg:$0x3] =	wrdreg s7  }
0x11: {  	s7 =	sadd.s32 $0x800, s7;
	s9 =	sadd.s32 $0xC70000, s5;
	[dreg:$0x9] =	wrdreg s0  }
0x12: {  	s22 =	sadd.s32 $0xC70200, s5;
	s23 =	sadd.s32 $0xC70400, s5;
	[dreg:$0x4] =	wrdreg s7  }
0x13: {  	s5 =	sadd.s32 $0xC70600, s5;
	s26 =	sadd.s32 s1, s6;
	[dreg:$0x5] =	wrdreg s9  }
.Ltmp0:
0x14: {  	s1 =	simm.s32 $0x6400;
	[dreg:$0x6] =	wrdreg s22;
	(pc) =	sbr.rel .LBB2_1-.Ltmp0, $4  }
0x15: {  	s6 =	simm.s32 $0x380;
	s7 =	sadd.s32 $0x200, s12;
	[dreg:$0x7] =	wrdreg s23  }
0x16: {  	[dreg:$0x8] =	wrdreg s5;
	s0 =	sadd.s32 $0x1000, s26;
	s22 =	simm.s32 $0x1400  }
0x17: {  	s26 =	simm.s32 $0x3400;
	s5 =	simm.s32 $0x7400;
	s9 =	simm.s32 $0x3  }
0x18: {  	s12 =	simm.s32 $0x5;
	[dreg:$0xa] =	wrdreg s0;
	s0 =	simm.s32 $0x300  }
.LBB2_6:
0x19: {  	_ =	swait.ge [sflag:s11], $0x1000  }
0x1a: {  	[sflag:s11] =	ssyncset.done $0x0  }
0x1b: {  	[sflag:s11] =	ssyncadd.s32 $0xFFFFF000  }
0x1c: {  	_ =	swait.ge [sflag:s11], $0x1000  }
0x1d: {  	[sflag:s11] =	ssyncset.done $0x0  }
0x1e: {  	[sflag:s11] =	ssyncadd.s32 $0xFFFFF000  }
0x1f: {  	_ =	swait.ge [sflag:s11], $0x1000  }
0x20: {  	[sflag:s11] =	ssyncset.done $0x0  }
0x21: {  	[sflag:s11] =	ssyncadd.s32 $0xFFFFF000  }
0x22: {  	_ =	swait.ge [sflag:s11], $0x1000  }
0x23: {  	[sflag:s11] =	ssyncset.done $0x0  }
0x24: {  	s2 =	rddreg [dreg:$0x5];
	[sflag:s11] =	ssyncadd.s32 $0xFFFFF000  }
0x25: {  	[hbm4b:s2+s3] =	stream.linear.scatter [tilespmem:s29], [sflag:$0x6], $0x1000, $0x38;
	[tilespmem:$0x8400] =	vst v63  }
0x26: {  	s23 =	rddreg [dreg:$0x6]  }
0x27: {  	[hbm4b:s23+s3] =	stream.linear.scatter [tilespmem:s31], [sflag:$0x6], $0x1000, $0x38;
	[tilespmem:$0x8400] =	vst v63  }
0x28: {  	s14 =	rddreg [dreg:$0x7]  }
0x29: {  	[hbm4b:s14+s3] =	stream.linear.scatter [tilespmem:s1], [sflag:$0x6], $0x1000, $0x38;
	[tilespmem:$0x8400] =	vst v63  }
0x2a: {  	s16 =	rddreg [dreg:$0x8]  }
0x2b: {  	[hbm4b:s16+s3] =	stream.linear.scatter [tilespmem:s5], [sflag:$0x6], $0x1000, $0x38;
	[tilespmem:$0x8400] =	vst v63  }
0x2c: {  	_ =	swait.ge [sflag:s12], $0x1000  }
0x2d: {  	[sflag:s12] =	ssyncset.done $0x0  }
0x2e: {  	[sflag:s12] =	ssyncadd.s32 $0xFFFFF000  }
0x2f: {  	_ =	swait.ge [sflag:s12], $0x1000  }
0x30: {  	[sflag:s12] =	ssyncset.done $0x0  }
0x31: {  	[sflag:s12] =	ssyncadd.s32 $0xFFFFF000  }
0x32: {  	_ =	swait.ge [sflag:s12], $0x1000  }
0x33: {  	[sflag:s12] =	ssyncset.done $0x0  }
0x34: {  	[sflag:s12] =	ssyncadd.s32 $0xFFFFF000  }
0x35: {  	_ =	swait.ge [sflag:s12], $0x1000  }
0x36: {  	[sflag:s12] =	ssyncset.done $0x0  }
0x37: {  	[sflag:s12] =	ssyncadd.s32 $0xFFFFF000  }
0x38: {  	_ =	swait.ge [sflag:s13], $0x1000  }
0x39: {  	[sflag:s13] =	ssyncset.done $0x0  }
0x3a: {  	[sflag:s13] =	ssyncadd.s32 $0xFFFFF000  }
0x3b: {  	_ =	swait.ge [sflag:s13], $0x1000  }
0x3c: {  	[sflag:s13] =	ssyncset.done $0x0  }
0x3d: {  	[sflag:s13] =	ssyncadd.s32 $0xFFFFF000  }
0x3e: {  	_ =	swait.ge [sflag:s13], $0x1000  }
0x3f: {  	[sflag:s13] =	ssyncset.done $0x0  }
0x40: {  	[sflag:s13] =	ssyncadd.s32 $0xFFFFF000  }
0x41: {  	_ =	swait.ge [sflag:s13], $0x1000  }
0x42: {  	s14 =	rddreg [dreg:$0xb]  }
0x43: {  	s23 =	rddreg [dreg:$0x9];
	s14 =	sadd.s32 $0x1, s14  }
0x44: {  	p0 =	sne.s32 s14, s23  }
.Ltmp1:
0x45: {  	_ = 	snop;
	(pc) =	sbr.rel @!p0 .LBB2_7-.Ltmp1, $3  }
0x46: {  	_ =	sdelay $0x1  }
0x47: {  	[sflag:s13] =	ssyncset.done $0x0  }
0x48: {  	[sflag:s13] =	ssyncadd.s32 $0xFFFFF000  }
.LBB2_1:
0x49: {  	[dreg:$0xb] =	wrdreg s14  }
.Ltmp2:
0x4a: {  	s2 =	rddreg [dreg:$0x3];
	(pc) =	sbr.rel .LBB2_2-.Ltmp2, $4  }
0x4b: {  	s23 =	rddreg [dreg:$0x4]  }
0x4c: {  	[tilespmem:s3], [sflag:$0x1] =	stream.linear.gather [hbm4b:s2+s3], $0x200, $0x38;
	[tilespmem:$0x8400] =	vst v63  }
0x4d: {  	s16 =	rddreg [dreg:$0xa];
	s14 =	simm.s32 $0x0  }
0x4e: {  	[tilespmem:s18], [sflag:$0x2] =	stream.linear.gather [hbm4b:s23+s3], $0x200, $0x38;
	[tilespmem:$0x8400] =	vst v63  }
.LBB2_4:
0x4f: {  	[tilespmem:s21], [sflag:$0x3] =	stream.indirect.gather [hbm4b:s4+s20], $0x20, s3, s20, $0xb8;
	[tilespmem:$0x8400] =	vst v63  }
0x50: {  	_ = 	snop  }
0x51: {  	[tilespmem:s22], [sflag:$0x3] =	stream.indirect.gather [hbm4b:s4+s20], $0x20, s20, s20, $0xb8;
	[tilespmem:$0x8400] =	vst v63  }
0x52: {  	s2 =	simm.s32 $0x100  }
0x53: {  	[tilespmem:s24], [sflag:$0x3] =	stream.indirect.gather [hbm4b:s4+s20], $0x20, s2, s20, $0xb8;
	[tilespmem:$0x8400] =	vst v63  }
0x54: {  	_ = 	snop  }
0x55: {  	[tilespmem:s26], [sflag:$0x3] =	stream.indirect.gather [hbm4b:s4+s20], $0x20, s25, s20, $0xb8;
	[tilespmem:$0x8400] =	vst v63  }
0x56: {  	_ =	swait.ge [sflag:s28], $0x200  }
0x57: {  	[sflag:s28] =	ssyncset.done $0x0  }
0x58: {  	[sflag:s28] =	ssyncadd.s32 $0xFFFFFE00  }
.LBB2_5:
0x59: {  	[tilespmem:s29], [sflag:$0x4] =	stream.indirect.gather [hbm4b:s4+s20], $0x20, s18, s20, $0xb8;
	[tilespmem:$0x8400] =	vst v63  }
0x5a: {  	_ = 	snop  }
0x5b: {  	[tilespmem:s31], [sflag:$0x4] =	stream.indirect.gather [hbm4b:s4+s20], $0x20, s30, s20, $0xb8;
	[tilespmem:$0x8400] =	vst v63  }
0x5c: {  	_ = 	snop  }
0x5d: {  	[tilespmem:s1], [sflag:$0x4] =	stream.indirect.gather [hbm4b:s4+s20], $0x20, s0, s20, $0xb8;
	[tilespmem:$0x8400] =	vst v63  }
0x5e: {  	_ = 	snop  }
0x5f: {  	[tilespmem:s5], [sflag:$0x4] =	stream.indirect.gather [hbm4b:s4+s20], $0x20, s6, s20, $0xb8;
	[tilespmem:$0x8400] =	vst v63  }
0x60: {  	_ =	swait.ge [sflag:s9], $0x1000  }
0x61: {  	[sflag:s9] =	ssyncset.done $0x0  }
0x62: {  	[sflag:s9] =	ssyncadd.s32 $0xFFFFF000  }
0x63: {  	_ =	swait.ge [sflag:s9], $0x1000  }
0x64: {  	[sflag:s9] =	ssyncset.done $0x0  }
0x65: {  	[sflag:s9] =	ssyncadd.s32 $0xFFFFF000  }
0x66: {  	_ =	swait.ge [sflag:s9], $0x1000  }
0x67: {  	[sflag:s9] =	ssyncset.done $0x0  }
0x68: {  	[sflag:s9] =	ssyncadd.s32 $0xFFFFF000  }
0x69: {  	_ =	swait.ge [sflag:s9], $0x1000  }
0x6a: {  	p0 =	seq.s32 s14, $0xC60000;
	[sflag:s9] =	ssyncset.done $0x0  }
0x6b: {  	s2 =	simm.s32 @!p0 $0x0;
	[sflag:s9] =	ssyncadd.s32 $0xFFFFF000  }
0x6c: {  	[tilespmem:s2], [sflag:$0x1] =	stream.linear.gather @!p0 [hbm4b:s16+s2], $0x200, $0x38;
	[tilespmem:$0x8400] =	vst v63  }
0x6d: {  	s2 =	sadd.s32 s14, s17;
	s14 =	sadd.s32 $0x20000, s14  }
0x6e: {  	[hbm4b:s2+s3] =	stream.linear.scatter [tilespmem:s21], [sflag:$0x5], $0x1000, $0x38;
	[tilespmem:$0x8400] =	vst v63  }
0x6f: {  	s23 =	sadd.s32 $0x200, s2;
	p0 =	sne.s32 s14, $0xC80000  }
0x70: {  	[hbm4b:s23+s3] =	stream.linear.scatter [tilespmem:s22], [sflag:$0x5], $0x1000, $0x38;
	[tilespmem:$0x8400] =	vst v63  }
.Ltmp3:
0x71: {  	_ = 	snop;
	(pc) =	sbr.rel @!p0 .LBB2_6-.Ltmp3, $4  }
0x72: {  	s23 =	sadd.s32 $0x400, s2  }
0x73: {  	[hbm4b:s23+s3] =	stream.linear.scatter [tilespmem:s24], [sflag:$0x5], $0x1000, $0x38;
	[tilespmem:$0x8400] =	vst v63  }
0x74: {  	s16 =	sadd.s32 $0x1000, s16;
	s2 =	sadd.s32 $0x600, s2  }
0x75: {  	[hbm4b:s2+s3] =	stream.linear.scatter [tilespmem:s26], [sflag:$0x5], $0x1000, $0x38;
	[tilespmem:$0x8400] =	vst v63  }
.LBB2_2:
0x76: {  	p0 =	seq.s32 s14, $0x0  }
.Ltmp4:
0x77: {  	_ = 	snop;
	(pc) =	sbr.rel @p0 .LBB2_4-.Ltmp4, $4  }
0x78: {  	_ = 	snop  }
0x79: {  	_ =	swait.ge [sflag:s19], $0x200  }
0x7a: {  	[sflag:s19] =	ssyncset.done $0x0  }
0x7b: {  	[sflag:s19] =	ssyncadd.s32 $0xFFFFFE00  }
0x7c: {  	_ =	swait.ge [sflag:s12], $0x1000  }
0x7d: {  	[sflag:s12] =	ssyncset.done $0x0  }
0x7e: {  	[sflag:s12] =	ssyncadd.s32 $0xFFFFF000  }
0x7f: {  	_ =	swait.ge [sflag:s12], $0x1000  }
0x80: {  	[sflag:s12] =	ssyncset.done $0x0  }
0x81: {  	[sflag:s12] =	ssyncadd.s32 $0xFFFFF000  }
0x82: {  	_ =	swait.ge [sflag:s12], $0x1000  }
0x83: {  	[sflag:s12] =	ssyncset.done $0x0  }
0x84: {  	[sflag:s12] =	ssyncadd.s32 $0xFFFFF000  }
0x85: {  	_ =	swait.ge [sflag:s12], $0x1000  }
0x86: {  	[sflag:s12] =	ssyncset.done $0x0  }
0x87: {  	[sflag:s12] =	ssyncadd.s32 $0xFFFFF000  }
0x88: {  	[tilespmem:s21], [sflag:$0x3] =	stream.indirect.gather [hbm4b:s4+s20], $0x20, s3, s20, $0xb8;
	[tilespmem:$0x8400] =	vst v63  }
0x89: {  	_ = 	snop  }
0x8a: {  	[tilespmem:s22], [sflag:$0x3] =	stream.indirect.gather [hbm4b:s4+s20], $0x20, s20, s20, $0xb8;
	[tilespmem:$0x8400] =	vst v63  }
0x8b: {  	s2 =	simm.s32 $0x100  }
0x8c: {  	[tilespmem:s24], [sflag:$0x3] =	stream.indirect.gather [hbm4b:s4+s20], $0x20, s2, s20, $0xb8;
	[tilespmem:$0x8400] =	vst v63  }
0x8d: {  	_ = 	snop  }
0x8e: {  	[tilespmem:s26], [sflag:$0x3] =	stream.indirect.gather [hbm4b:s4+s20], $0x20, s25, s20, $0xb8;
	[tilespmem:$0x8400] =	vst v63  }
0x8f: {  	_ =	swait.ge [sflag:s11], $0x1000  }
0x90: {  	[sflag:s11] =	ssyncset.done $0x0  }
0x91: {  	[sflag:s11] =	ssyncadd.s32 $0xFFFFF000  }
0x92: {  	_ =	swait.ge [sflag:s11], $0x1000  }
0x93: {  	[sflag:s11] =	ssyncset.done $0x0  }
0x94: {  	[sflag:s11] =	ssyncadd.s32 $0xFFFFF000  }
0x95: {  	_ =	swait.ge [sflag:s11], $0x1000  }
0x96: {  	[sflag:s11] =	ssyncset.done $0x0  }
0x97: {  	[sflag:s11] =	ssyncadd.s32 $0xFFFFF000  }
0x98: {  	_ =	swait.ge [sflag:s11], $0x1000  }
0x99: {  	[sflag:s11] =	ssyncset.done $0x0  }
0x9a: {  	s23 =	sadd.s32 $0xFFFFF800, s16;
	[sflag:s11] =	ssyncadd.s32 $0xFFFFF000  }
0x9b: {  	[tilespmem:s18], [sflag:$0x2] =	stream.linear.gather [hbm4b:s23+s3], $0x200, $0x38;
	[tilespmem:$0x8400] =	vst v63  }
0x9c: {  	s23 =	sadd.s32 s14, s15  }
0x9d: {  	s2 =	sadd.s32 $0x1FFF0000, s23  }
0x9e: {  	s23 =	rddreg [dreg:$0x1];
	s2 =	sand.u32 $0x1FFFF800, s2  }
0x9f: {  	s23 =	sadd.s32 s23, s2  }
0xa0: {  	[hbm4b:s23+s3] =	stream.linear.scatter [tilespmem:s29], [sflag:$0x6], $0x1000, $0x38;
	[tilespmem:$0x8400] =	vst v63  }
0xa1: {  	s23 =	sadd.s32 s2, s7  }
0xa2: {  	[hbm4b:s23+s3] =	stream.linear.scatter [tilespmem:s31], [sflag:$0x6], $0x1000, $0x38;
	[tilespmem:$0x8400] =	vst v63  }
0xa3: {  	s23 =	sadd.s32 s2, s10  }
0xa4: {  	[hbm4b:s23+s3] =	stream.linear.scatter [tilespmem:s1], [sflag:$0x6], $0x1000, $0x38;
	[tilespmem:$0x8400] =	vst v63  }
0xa5: {  	s2 =	sadd.s32 s2, s8  }
0xa6: {  	[hbm4b:s2+s3] =	stream.linear.scatter [tilespmem:s5], [sflag:$0x6], $0x1000, $0x38;
	[tilespmem:$0x8400] =	vst v63  }
0xa7: {  	_ =	swait.ge [sflag:s28], $0x200  }
0xa8: {  	[sflag:s28] =	ssyncset.done $0x0  }
0xa9: {  	[sflag:s28] =	ssyncadd.s32 $0xFFFFFE00  }
0xaa: {  	_ =	swait.ge [sflag:s13], $0x1000  }
0xab: {  	[sflag:s13] =	ssyncset.done $0x0  }
0xac: {  	[sflag:s13] =	ssyncadd.s32 $0xFFFFF000  }
0xad: {  	_ =	swait.ge [sflag:s13], $0x1000  }
0xae: {  	[sflag:s13] =	ssyncset.done $0x0  }
0xaf: {  	[sflag:s13] =	ssyncadd.s32 $0xFFFFF000  }
0xb0: {  	_ =	swait.ge [sflag:s13], $0x1000  }
.Ltmp5:
0xb1: {  	[sflag:s13] =	ssyncset.done $0x0;
	(pc) =	sbr.rel .LBB2_5-.Ltmp5, $4  }
0xb2: {  	[sflag:s13] =	ssyncadd.s32 $0xFFFFF000  }
0xb3: {  	_ =	swait.ge [sflag:s13], $0x1000  }
0xb4: {  	[sflag:s13] =	ssyncset.done $0x0  }
0xb5: {  	[sflag:s13] =	ssyncadd.s32 $0xFFFFF000  }
.LBB2_7:
0xb6: {  	_ =	sfence.sel $0x180000  }
0xb7: {  	[bflag:$0x0] =	sbarrier.arrive $0xFFFF  }
0xb8: {  	_ =	strace $0x90000047  }
0xb9: {  	s0 =	stileid.u32;
	[bflag:$0x2] =	sbarrier.arrive $0xFFFF  }
0xba: {  	p0 =	sne.s32 s0, $0x0;
	s0 =	rddreg [dreg:$0x2]  }
0xbb: {  	s0 =	sadd.s32 @!p0 $0x100000, s0  }
0xbc: {  	[sflag:s0] =	ssyncadd.tile.s32 @!p0 $0x1;
	_ =	shalt  }
.Lfunc_end2:
_tile_overlayer_lowered:
.L_overlay_start_2:
0xbd: {  	(tag) =	ssettag $0x2  }
0xbe: {  	s0 =	rddreg [dreg:$0x0];
	s2 =	stileid.u32  }
0xbf: {  	s1 =	rddreg [dreg:$0x1];
	p0 =	sne.s32 s2, $0x0  }
0xc0: {  	s3 =	rddreg [dreg:$0x2];
	[bflag:$0x3] =	sbarrier.arrive $0xFFFF;
	s2 =	simm.s32 @!p0 $0x1C07  }
0xc1: {  	[timem:s3], [sflag:s2] =	dma.local @!p0 [hbm:s0], s1  }
0xc2: {  	s0 =	simm.s32 @!p0 $0x7  }
0xc3: {  	_ =	swait.ge @!p0 [sflag:s0], s1  }
0xc4: {  	s1 =	ssub.s32 @!p0 $0x0, s1;
	[sflag:s0] =	ssyncset.done @!p0 $0x0  }
0xc5: {  	[sflag:s0] =	ssyncadd.s32 @!p0 s1  }
0xc6: {  	[bflag:$0x3] =	sbarrier.arrive $0xFFFF  }
0xc7: {  	_ =	shalt  }

</sc_bundles>
